<compile_context>
chip_gen: v7x
topology: tpu7x:2x2x1
jax: 0.10.2.dev20260603
libtpu: 0.0.44.dev20260713+nightly
codegen_flags: <defaults>
</compile_context>

<pallas_src>
import functools

import jax
import jax.numpy as jnp
from jax import lax
from jax.experimental import pallas as pl
from jax.experimental.pallas import tpu as pltpu
from jax.experimental.pallas import tpu_sc as plsc

S, B, D, E, K, F = 2048, 1, 1024, 8, 2, 2048
N = S * B
LANES = 128
TM = 128
RMAX = 4992
G = RMAX // TM
NW = 32
CHUNK = N // NW
CS = 256
NCH = N // CS


def _route_kernel(x_ref, wg_ref, pos1_ref, pos2_ref, w1_ref, w2_ref,
                  te_ref):
    xb = x_ref[...]
    logits = lax.dot_general(
        xb.astype(jnp.bfloat16), wg_ref[...].astype(jnp.bfloat16),
        (((1,), (0,)), ((), ())),
        preferred_element_type=jnp.float32)
    lane = lax.broadcasted_iota(jnp.int32, (N, LANES), 1)
    neg = jnp.float32(-1e30)
    logm = jnp.where(lane < E, logits, neg)
    m1 = jnp.max(logm, axis=1, keepdims=True)
    i1 = jnp.min(jnp.where(logm == m1, lane, LANES), axis=1, keepdims=True)
    logm2 = jnp.where(lane == i1, neg, logm)
    m2 = jnp.max(logm2, axis=1, keepdims=True)
    i2 = jnp.min(jnp.where(logm2 == m2, lane, LANES), axis=1, keepdims=True)
    d = jnp.exp(m2 - m1)
    w1_ref[...] = 1.0 / (1.0 + d)
    w2_ref[...] = d / (1.0 + d)

    oh1 = (lane == i1)
    oh2 = (lane == i2)
    oh1b = oh1.astype(jnp.bfloat16)
    oh2b = oh2.astype(jnp.bfloat16)

    r_io = lax.broadcasted_iota(jnp.int32, (CS, CS), 0)
    c_io = lax.broadcasted_iota(jnp.int32, (CS, CS), 1)
    tri = (c_io < r_io).astype(jnp.bfloat16)

    def excl_cumsum(ohb):
        carry = jnp.zeros((1, LANES), jnp.float32)
        parts = []
        for c in range(NCH):
            blk = ohb[c * CS:(c + 1) * CS]
            cc = lax.dot_general(
                tri, blk, (((1,), (0,)), ((), ())),
                preferred_element_type=jnp.float32) + carry
            parts.append(cc)
            carry = carry + jnp.sum(blk.astype(jnp.float32), axis=0,
                                    keepdims=True)
        return jnp.concatenate(parts, axis=0), carry

    cum0, cnt0 = excl_cumsum(oh1b)
    cum1, cnt1 = excl_cumsum(oh2b)

    cnt = (cnt0 + cnt1).astype(jnp.int32)
    pc = ((cnt + (TM - 1)) // TM) * TM
    pcf = pc.astype(jnp.float32)
    r2 = lax.broadcasted_iota(jnp.int32, (LANES, LANES), 0)
    c2 = lax.broadcasted_iota(jnp.int32, (LANES, LANES), 1)
    upper = (r2 < c2).astype(jnp.float32)
    base = lax.dot_general(
        pcf, upper, (((1,), (0,)), ((), ())),
        precision=lax.Precision.HIGHEST,
        preferred_element_type=jnp.float32)

    oh1f = oh1.astype(jnp.float32)
    oh2f = oh2.astype(jnp.float32)
    pos1 = jnp.sum(oh1f * (base + cum0), axis=1, keepdims=True)
    pos2 = jnp.sum(oh2f * (base + cnt0 + cum1), axis=1, keepdims=True)
    pos1_ref[...] = pos1.astype(jnp.int32)
    pos2_ref[...] = pos2.astype(jnp.int32)

    ends = base + pcf
    g_io = lax.broadcasted_iota(jnp.int32, (LANES, LANES), 0)
    l_io = lax.broadcasted_iota(jnp.int32, (LANES, LANES), 1)
    ind = jnp.where(
        (g_io.astype(jnp.float32) * TM >= ends) & (l_io < E), 1, 0)
    te = jnp.minimum(jnp.sum(ind, axis=1, keepdims=True), E - 1)
    te_ref[...] = jnp.broadcast_to(te, (LANES, LANES))


def _final_kernel(x_ref, w1_ref, w2_ref, r_ref, o_ref):
    xb = x_ref[...].astype(jnp.bfloat16)
    h = lax.dot_general(xb, w1_ref[...], (((1,), (0,)), ((), ())),
                        preferred_element_type=jnp.float32)
    h = jnp.maximum(h, 0.0).astype(jnp.bfloat16)
    y = lax.dot_general(h, w2_ref[...], (((1,), (0,)), ((), ())),
                        preferred_element_type=jnp.float32)
    o_ref[...] = (1.0 / K) * y + r_ref[...]


def _gmm_kernel(te_ref, xs_ref, pos1_ref, pos2_ref, wa_ref, wb_ref,
                w1_ref, w2_ref, o_ref):
    del te_ref
    g = pl.program_id(0)
    xb = xs_ref[...].astype(jnp.bfloat16)
    h = lax.dot_general(xb, w1_ref[0], (((1,), (0,)), ((), ())),
                        preferred_element_type=jnp.float32)
    h = jnp.maximum(h, 0.0).astype(jnp.bfloat16)
    ye = lax.dot_general(h, w2_ref[0], (((1,), (0,)), ((), ())),
                         preferred_element_type=jnp.float32)
    ye = jnp.where(jnp.abs(ye) < jnp.float32(1e30), ye, 0.0)
    yeb = ye.astype(jnp.bfloat16)
    rel1 = pos1_ref[...] - g * TM
    rel2 = pos2_ref[...] - g * TM
    lane = lax.broadcasted_iota(jnp.int32, (N, TM), 1)
    scat = (jnp.where(lane == rel1, wa_ref[...], 0.0)
            + jnp.where(lane == rel2, wb_ref[...], 0.0))
    contrib = lax.dot_general(
        scat.astype(jnp.bfloat16), yeb, (((1,), (0,)), ((), ())),
        preferred_element_type=jnp.float32)

    @pl.when(g == 0)
    def _init():
        o_ref[...] = contrib

    @pl.when(g != 0)
    def _acc():
        o_ref[...] = o_ref[...] + contrib


@functools.cache
def _sc_kernels():
    mesh = plsc.VectorSubcoreMesh(core_axis_name="c", subcore_axis_name="s")

    @functools.partial(
        pl.kernel,
        out_type=jax.ShapeDtypeStruct((RMAX, D), jnp.float32),
        mesh=mesh,
        scratch_types=[
            pltpu.VMEM((CHUNK, D), jnp.float32),
            pltpu.VMEM((CHUNK,), jnp.int32),
            pltpu.VMEM((CHUNK,), jnp.int32),
            pltpu.SemaphoreType.DMA,
            pltpu.SemaphoreType.DMA,
        ],
    )
    def _sc_dispatch(x_hbm, pos1_hbm, pos2_hbm, xs_hbm,
                     rows_v, idx1_v, idx2_v, sem1, sem2):
        wid = lax.axis_index("s") * 2 + lax.axis_index("c")
        base = wid * CHUNK
        pltpu.sync_copy(pos1_hbm.at[pl.ds(base, CHUNK)], idx1_v)
        pltpu.sync_copy(pos2_hbm.at[pl.ds(base, CHUNK)], idx2_v)
        pltpu.sync_copy(x_hbm.at[pl.ds(base, CHUNK)], rows_v)
        c1 = pltpu.async_copy(rows_v, xs_hbm.at[idx1_v], sem1)
        c2 = pltpu.async_copy(rows_v, xs_hbm.at[idx2_v], sem2)
        c1.wait()
        c2.wait()

    return _sc_dispatch


def kernel(x, Wg, bg, W1, b1, W2, b2, Ws1, bs1, Ws2, bs2):
    xf = x.reshape(N, D)
    wgp = jnp.zeros((D, LANES), jnp.float32).at[:, :E].set(Wg)

    pos1, pos2, w1c, w2c, te = pl.pallas_call(
        _route_kernel,
        grid=(1,),
        in_specs=[
            pl.BlockSpec((N, D), lambda i: (0, 0)),
            pl.BlockSpec((D, LANES), lambda i: (0, 0)),
        ],
        out_specs=[
            pl.BlockSpec((N, 1), lambda i: (0, 0)),
            pl.BlockSpec((N, 1), lambda i: (0, 0)),
            pl.BlockSpec((N, 1), lambda i: (0, 0)),
            pl.BlockSpec((N, 1), lambda i: (0, 0)),
            pl.BlockSpec((LANES, LANES), lambda i: (0, 0)),
        ],
        out_shape=[
            jax.ShapeDtypeStruct((N, 1), jnp.int32),
            jax.ShapeDtypeStruct((N, 1), jnp.int32),
            jax.ShapeDtypeStruct((N, 1), jnp.float32),
            jax.ShapeDtypeStruct((N, 1), jnp.float32),
            jax.ShapeDtypeStruct((LANES, LANES), jnp.int32),
        ],
    )(xf, wgp)

    pos1r = pos1.reshape(N)
    pos2r = pos2.reshape(N)
    te40 = te[:G, 0]

    sc_dispatch = _sc_kernels()
    xs = sc_dispatch(xf, pos1r, pos2r)

    outr = pl.pallas_call(
        _gmm_kernel,
        grid_spec=pltpu.PrefetchScalarGridSpec(
            num_scalar_prefetch=1,
            grid=(G,),
            in_specs=[
                pl.BlockSpec((TM, D), lambda g, te_s: (g, 0)),
                pl.BlockSpec((N, 1), lambda g, te_s: (0, 0)),
                pl.BlockSpec((N, 1), lambda g, te_s: (0, 0)),
                pl.BlockSpec((N, 1), lambda g, te_s: (0, 0)),
                pl.BlockSpec((N, 1), lambda g, te_s: (0, 0)),
                pl.BlockSpec((1, D, F), lambda g, te_s: (te_s[g], 0, 0)),
                pl.BlockSpec((1, F, D), lambda g, te_s: (te_s[g], 0, 0)),
            ],
            out_specs=pl.BlockSpec((N, D), lambda g, te_s: (0, 0)),
        ),
        out_shape=jax.ShapeDtypeStruct((N, D), jnp.float32),
        compiler_params=pltpu.CompilerParams(
            dimension_semantics=("arbitrary",),
        ),
    )(te40, xs, pos1, pos2, w1c, w2c,
      W1.astype(jnp.bfloat16), W2.astype(jnp.bfloat16))

    out = pl.pallas_call(
        _final_kernel,
        grid=(2,),
        in_specs=[
            pl.BlockSpec((N // 2, D), lambda i: (i, 0)),
            pl.BlockSpec((D, F), lambda i: (0, 0)),
            pl.BlockSpec((F, D), lambda i: (0, 0)),
            pl.BlockSpec((N // 2, D), lambda i: (i, 0)),
        ],
        out_specs=pl.BlockSpec((N // 2, D), lambda i: (i, 0)),
        out_shape=jax.ShapeDtypeStruct((N, D), jnp.float32),
    )(xf, Ws1.astype(jnp.bfloat16), Ws2.astype(jnp.bfloat16), outr)
    return out.reshape(S, B, D)

# --- scband reference (transcript-rebuilt; emitter-appended) ---
"""Pipeline reference for scband-shared-mo-elayer-36034775613956 (READ-ONLY COPY).

The authoritative reference and input builder live on the scoring server;
editing this copy changes nothing except your own understanding.
"""

import jax, jax.numpy as jnp
import numpy as np

S, B, D, E, K, F = 2048, 1, 1024, 8, 2, 2048


def setup_inputs(seed: int = 0) -> dict:
    key = jax.random.key(seed)
    ks = jax.random.split(key, 8)
    s = 0.02
    return {
        "x": jax.random.normal(ks[0], (S, B, D), dtype=jnp.float32),
        "Wg": jax.random.normal(ks[1], (D, E), dtype=jnp.float32) * s,
        "bg": jnp.zeros((E,), dtype=jnp.float32),
        "W1": jax.random.normal(ks[2], (E, D, F), dtype=jnp.float32) * s,
        "b1": jnp.zeros((E, F), dtype=jnp.float32),
        "W2": jax.random.normal(ks[3], (E, F, D), dtype=jnp.float32) * s,
        "b2": jnp.zeros((E, D), dtype=jnp.float32),
        "Ws1": jax.random.normal(ks[4], (D, F), dtype=jnp.float32) * s,
        "bs1": jnp.zeros((F,), dtype=jnp.float32),
        "Ws2": jax.random.normal(ks[5], (F, D), dtype=jnp.float32) * s,
        "bs2": jnp.zeros((D,), dtype=jnp.float32),
    }


def reference(x, Wg, bg, W1, b1, W2, b2, Ws1, bs1, Ws2, bs2):
    # gate: Linear(d_model, n_experts)
    gate_logits = jnp.einsum('sbd,de->sbe', x, Wg) + bg          # [S,B,E]
    # top-k routing (eval path: t=1.0, balancing=False, dropout inert)
    w, sel = jax.lax.top_k(gate_logits, K)                        # [S,B,K]
    w = jax.nn.softmax(w.astype(jnp.float32), axis=-1)            # softmax over selected logits
    # combine weights per expert (equivalent to the scatter-add loop in torch)
    combine = jnp.sum(jax.nn.one_hot(sel, E, dtype=w.dtype) * w[..., None], axis=-2)  # [S,B,E]
    xf = x.reshape(S * B, D)
    cf = combine.reshape(S * B, E)
    out = jnp.zeros((S * B, D), dtype=jnp.float32)
    for e in range(E):
        h = jax.nn.relu(xf @ W1[e] + b1[e])
        ye = h @ W2[e] + b2[e]
        out = out + cf[:, e:e + 1] * ye
    # shared expert added with weight 1/k
    hs = jax.nn.relu(xf @ Ws1 + bs1)
    out = out + (1.0 / K) * (hs @ Ws2 + bs2)
    return out.reshape(S, B, D)

if __name__ == "__main__":
    import jax
    _d = setup_inputs()
    print(jax.jit(kernel)(*tuple(_d.values())))

</pallas_src>

<mosaic_0001>
#map = affine_map<(d0, d1) -> (0, 0)>
#map1 = affine_map<(d0, d1) -> (0)>
module attributes {stable_mosaic.version = 14 : i64} {
  func.func @_sc_dispatch(%arg0: i32, %arg1: i32, %arg2: memref<2048x1024xf32, #tpu.memory_space<hbm>>, %arg3: memref<2048xi32, #tpu.memory_space<hbm>>, %arg4: memref<2048xi32, #tpu.memory_space<hbm>>, %arg5: memref<4992x1024xf32, #tpu.memory_space<hbm>>, %arg6: memref<64x1024xf32, #tpu.memory_space<vmem>>, %arg7: memref<64xi32, #tpu.memory_space<vmem>>, %arg8: memref<64xi32, #tpu.memory_space<vmem>>, %arg9: memref<!tpu.dma_semaphore, #tpu.memory_space<semaphore_mem>>, %arg10: memref<!tpu.dma_semaphore, #tpu.memory_space<semaphore_mem>>) attributes {dimension_semantics = [#tpu.dimension_semantics<core_parallel>, #tpu.dimension_semantics<subcore_parallel>], iteration_bounds = array<i64: 2, 16>, scalar_prefetch = 0 : i64, scratch_operands = 5 : i64, tpu.core_type = #tpu.core_type<sc_vector_subcore>, window_params = [{transform_indices = #map}, {transform_indices = #map1}, {transform_indices = #map1}, {transform_indices = #map}]} {
    %mul3A = arith.constant 2 : i32
    %mul3A_0 = arith.muli %arg1, %mul3A : i32
    %add3A = arith.addi %mul3A_0, %arg0 : i32
    %mul3A_1 = arith.constant 64 : i32
    %mul3A_2 = arith.muli %add3A, %mul3A_1 : i32
    "tpu.region"() ({
      %run_scoped3A = tpu.sem_alloc : memref<!tpu.dma_semaphore, #tpu.memory_space<semaphore_mem>>
      %dma_start3A_13 = tpu.memref_slice %arg3[%mul3A_2] : memref<2048xi32, #tpu.memory_space<hbm>> -> memref<64xi32, #tpu.memory_space<hbm>>
      %dma_start3A_14 = tpu.memref_slice %arg3[%mul3A_2] : memref<2048xi32, #tpu.memory_space<hbm>> -> memref<64xi32, #tpu.memory_space<hbm>>
      tpu.enqueue_dma source(%dma_start3A_14 : memref<64xi32, #tpu.memory_space<hbm>>) target(%arg7 : memref<64xi32, #tpu.memory_space<vmem>>) target_semaphore(%run_scoped3A : memref<!tpu.dma_semaphore, #tpu.memory_space<semaphore_mem>>)
      %dma_wait3A_15 = tpu.memref_slice %arg3[%mul3A_2] : memref<2048xi32, #tpu.memory_space<hbm>> -> memref<64xi32, #tpu.memory_space<hbm>>
      %dma_wait3A_16 = tpu.memref_slice %arg3[%mul3A_2] : memref<2048xi32, #tpu.memory_space<hbm>> -> memref<64xi32, #tpu.memory_space<hbm>>
      tpu.wait_dma2 semaphore(%run_scoped3A : memref<!tpu.dma_semaphore, #tpu.memory_space<semaphore_mem>>) src(%dma_wait3A_16 : memref<64xi32, #tpu.memory_space<hbm>>) dst(%arg7 : memref<64xi32, #tpu.memory_space<vmem>>)
      tpu.yield
    }) : () -> ()
    "tpu.region"() ({
      %run_scoped3A = tpu.sem_alloc : memref<!tpu.dma_semaphore, #tpu.memory_space<semaphore_mem>>
      %dma_start3A_13 = tpu.memref_slice %arg4[%mul3A_2] : memref<2048xi32, #tpu.memory_space<hbm>> -> memref<64xi32, #tpu.memory_space<hbm>>
      %dma_start3A_14 = tpu.memref_slice %arg4[%mul3A_2] : memref<2048xi32, #tpu.memory_space<hbm>> -> memref<64xi32, #tpu.memory_space<hbm>>
      tpu.enqueue_dma source(%dma_start3A_14 : memref<64xi32, #tpu.memory_space<hbm>>) target(%arg8 : memref<64xi32, #tpu.memory_space<vmem>>) target_semaphore(%run_scoped3A : memref<!tpu.dma_semaphore, #tpu.memory_space<semaphore_mem>>)
      %dma_wait3A_15 = tpu.memref_slice %arg4[%mul3A_2] : memref<2048xi32, #tpu.memory_space<hbm>> -> memref<64xi32, #tpu.memory_space<hbm>>
      %dma_wait3A_16 = tpu.memref_slice %arg4[%mul3A_2] : memref<2048xi32, #tpu.memory_space<hbm>> -> memref<64xi32, #tpu.memory_space<hbm>>
      tpu.wait_dma2 semaphore(%run_scoped3A : memref<!tpu.dma_semaphore, #tpu.memory_space<semaphore_mem>>) src(%dma_wait3A_16 : memref<64xi32, #tpu.memory_space<hbm>>) dst(%arg8 : memref<64xi32, #tpu.memory_space<vmem>>)
      tpu.yield
    }) : () -> ()
    "tpu.region"() ({
      %run_scoped3A = tpu.sem_alloc : memref<!tpu.dma_semaphore, #tpu.memory_space<semaphore_mem>>
      %dma_start3A_13 = arith.constant 0 : i32
      %dma_start3A_14 = tpu.memref_slice %arg2[%mul3A_2, %dma_start3A_13] : memref<2048x1024xf32, #tpu.memory_space<hbm>> -> memref<64x1024xf32, #tpu.memory_space<hbm>>
      %dma_start3A_15 = arith.constant 0 : i32
      %dma_start3A_16 = tpu.memref_slice %arg2[%mul3A_2, %dma_start3A_15] : memref<2048x1024xf32, #tpu.memory_space<hbm>> -> memref<64x1024xf32, #tpu.memory_space<hbm>>
      tpu.enqueue_dma source(%dma_start3A_16 : memref<64x1024xf32, #tpu.memory_space<hbm>>) target(%arg6 : memref<64x1024xf32, #tpu.memory_space<vmem>>) target_semaphore(%run_scoped3A : memref<!tpu.dma_semaphore, #tpu.memory_space<semaphore_mem>>)
      %dma_wait3A_17 = arith.constant 0 : i32
      %dma_wait3A_18 = tpu.memref_slice %arg2[%mul3A_2, %dma_wait3A_17] : memref<2048x1024xf32, #tpu.memory_space<hbm>> -> memref<64x1024xf32, #tpu.memory_space<hbm>>
      %dma_wait3A_19 = arith.constant 0 : i32
      %dma_wait3A_20 = tpu.memref_slice %arg2[%mul3A_2, %dma_wait3A_19] : memref<2048x1024xf32, #tpu.memory_space<hbm>> -> memref<64x1024xf32, #tpu.memory_space<hbm>>
      tpu.wait_dma2 semaphore(%run_scoped3A : memref<!tpu.dma_semaphore, #tpu.memory_space<semaphore_mem>>) src(%dma_wait3A_20 : memref<64x1024xf32, #tpu.memory_space<hbm>>) dst(%arg6 : memref<64x1024xf32, #tpu.memory_space<vmem>>)
      tpu.yield
    }) : () -> ()
    %dma_start3A = arith.constant 0 : i32
    %dma_start3A_3 = arith.constant 0 : i32
    %dma_start3A_4 = tpu.memref_slice %arg5[%dma_start3A, %dma_start3A_3] : memref<4992x1024xf32, #tpu.memory_space<hbm>> -> memref<4992x1024xf32, #tpu.memory_space<hbm>>
    tpu.enqueue_indirect_dma source(%arg6 : memref<64x1024xf32, #tpu.memory_space<vmem>>) target(%dma_start3A_4 : memref<4992x1024xf32, #tpu.memory_space<hbm>>) offsets(%arg7 : memref<64xi32, #tpu.memory_space<vmem>>) semaphore(%arg9 : memref<!tpu.dma_semaphore, #tpu.memory_space<semaphore_mem>>)
    %dma_start3A_5 = arith.constant 0 : i32
    %dma_start3A_6 = arith.constant 0 : i32
    %dma_start3A_7 = tpu.memref_slice %arg5[%dma_start3A_5, %dma_start3A_6] : memref<4992x1024xf32, #tpu.memory_space<hbm>> -> memref<4992x1024xf32, #tpu.memory_space<hbm>>
    tpu.enqueue_indirect_dma source(%arg6 : memref<64x1024xf32, #tpu.memory_space<vmem>>) target(%dma_start3A_7 : memref<4992x1024xf32, #tpu.memory_space<hbm>>) offsets(%arg8 : memref<64xi32, #tpu.memory_space<vmem>>) semaphore(%arg10 : memref<!tpu.dma_semaphore, #tpu.memory_space<semaphore_mem>>)
    %dma_wait3A = arith.constant 0 : i32
    %dma_wait3A_8 = arith.constant 0 : i32
    %dma_wait3A_9 = tpu.memref_slice %arg5[%dma_wait3A, %dma_wait3A_8] : memref<4992x1024xf32, #tpu.memory_space<hbm>> -> memref<4992x1024xf32, #tpu.memory_space<hbm>>
    tpu.wait_indirect_dma semaphore(%arg9 : memref<!tpu.dma_semaphore, #tpu.memory_space<semaphore_mem>>) src(%arg6 : memref<64x1024xf32, #tpu.memory_space<vmem>>) dst(%dma_wait3A_9 : memref<4992x1024xf32, #tpu.memory_space<hbm>>)
    %dma_wait3A_10 = arith.constant 0 : i32
    %dma_wait3A_11 = arith.constant 0 : i32
    %dma_wait3A_12 = tpu.memref_slice %arg5[%dma_wait3A_10, %dma_wait3A_11] : memref<4992x1024xf32, #tpu.memory_space<hbm>> -> memref<4992x1024xf32, #tpu.memory_space<hbm>>
    tpu.wait_indirect_dma semaphore(%arg10 : memref<!tpu.dma_semaphore, #tpu.memory_space<semaphore_mem>>) src(%arg6 : memref<64x1024xf32, #tpu.memory_space<vmem>>) dst(%dma_wait3A_12 : memref<4992x1024xf32, #tpu.memory_space<hbm>>)
    return
  }
}

module attributes {stable_mosaic.version = 14 : i64} {
  func.func @_route_kernel(%arg0: i32, %arg1: memref<2048x1024xf32, #tpu.memory_space<vmem>>, %arg2: memref<1024x128xf32, #tpu.memory_space<vmem>>, %arg3: memref<2048x1xi32, #tpu.memory_space<vmem>>, %arg4: memref<2048x1xi32, #tpu.memory_space<vmem>>, %arg5: memref<2048x1xf32, #tpu.memory_space<vmem>>, %arg6: memref<2048x1xf32, #tpu.memory_space<vmem>>, %arg7: memref<128x128xi32, #tpu.memory_space<vmem>>) attributes {dimension_semantics = [#tpu.dimension_semantics<arbitrary>], iteration_bounds = array<i64: 1>, scalar_prefetch = 0 : i64, scratch_operands = 0 : i64, tpu.core_type = #tpu.core_type<tc>, window_params = [{pipeline_mode = #tpu.pipeline_mode<synchronous>, transform_indices = @transform_0, window_bounds = array<i64: 2048, 1024>}, {pipeline_mode = #tpu.pipeline_mode<synchronous>, transform_indices = @transform_1, window_bounds = array<i64: 1024, 128>}, {pipeline_mode = #tpu.pipeline_mode<synchronous>, transform_indices = @transform_2, window_bounds = array<i64: 2048, 1>}, {pipeline_mode = #tpu.pipeline_mode<synchronous>, transform_indices = @transform_3, window_bounds = array<i64: 2048, 1>}, {pipeline_mode = #tpu.pipeline_mode<synchronous>, transform_indices = @transform_4, window_bounds = array<i64: 2048, 1>}, {pipeline_mode = #tpu.pipeline_mode<synchronous>, transform_indices = @transform_5, window_bounds = array<i64: 2048, 1>}, {pipeline_mode = #tpu.pipeline_mode<synchronous>, transform_indices = @transform_6, window_bounds = array<i64: 128, 128>}]} {
    %get3A = arith.constant 0 : index
    %get3A_0 = arith.constant 0 : index
    %get3A_1 = vector.load %arg1[%get3A, %get3A_0] : memref<2048x1024xf32, #tpu.memory_space<vmem>>, vector<2048x1024xf32>
    %convert_element_type3A = arith.truncf %get3A_1 : vector<2048x1024xf32> to vector<2048x1024xbf16>
    %get3A_2 = arith.constant 0 : index
    %get3A_3 = arith.constant 0 : index
    %get3A_4 = vector.load %arg2[%get3A_2, %get3A_3] : memref<1024x128xf32, #tpu.memory_space<vmem>>, vector<1024x128xf32>
    %convert_element_type3A_5 = arith.truncf %get3A_4 : vector<1024x128xf32> to vector<1024x128xbf16>
    %dot_general3A = arith.constant dense<0.000000e+00> : vector<2048x128xf32>
    %dot_general3A_6 = tpu.matmul %convert_element_type3A, %convert_element_type3A_5, %dot_general3A {dimension_numbers = #tpu.dot_dimension_numbers<[1], [0], [0], [1], [0, 0, 1, 1], [], []>, transpose_lhs_hint = false} : vector<2048x1024xbf16>, vector<1024x128xbf16>, vector<2048x128xf32> -> vector<2048x128xf32>
    %iota3A = tpu.iota {dimensions = array<i32: 1>} : vector<2048x128xi32>
    %lt3A = arith.constant 8 : i32
    %lt3A_7 = vector.broadcast %lt3A : i32 to vector<2048x128xi32>
    %lt3A_8 = arith.cmpi slt, %iota3A, %lt3A_7 : vector<2048x128xi32>
    %jit3A = arith.constant -1.000000e+30 : f32
    %broadcast_in_dim3A = vector.broadcast %jit3A : f32 to vector<2048x128xf32>
    %select_n3A = arith.select %lt3A_8, %dot_general3A_6, %broadcast_in_dim3A : vector<2048x128xi1>, vector<2048x128xf32>
    %reduce_max3A = arith.constant dense<0xFF800000> : vector<2048xf32>
    %reduce_max3A_9 = vector.multi_reduction <maximumf>, %select_n3A, %reduce_max3A [1] : vector<2048x128xf32> to vector<2048xf32>
    %broadcast_in_dim3A_10 = vector.shape_cast %reduce_max3A_9 : vector<2048xf32> to vector<2048x1xf32>
    %eq3A = vector.broadcast %broadcast_in_dim3A_10 : vector<2048x1xf32> to vector<2048x128xf32>
    %eq3A_11 = arith.cmpf oeq, %select_n3A, %eq3A : vector<2048x128xf32>
    %jit3A_12 = arith.constant 128 : i32
    %broadcast_in_dim3A_13 = vector.broadcast %jit3A_12 : i32 to vector<2048x128xi32>
    %select_n3A_14 = arith.select %eq3A_11, %iota3A, %broadcast_in_dim3A_13 : vector<2048x128xi1>, vector<2048x128xi32>
    %reduce_min3A = arith.constant dense<2147483647> : vector<2048xi32>
    %reduce_min3A_15 = vector.multi_reduction <minsi>, %select_n3A_14, %reduce_min3A [1] : vector<2048x128xi32> to vector<2048xi32>
    %broadcast_in_dim3A_16 = vector.shape_cast %reduce_min3A_15 : vector<2048xi32> to vector<2048x1xi32>
    %eq3A_17 = vector.broadcast %broadcast_in_dim3A_16 : vector<2048x1xi32> to vector<2048x128xi32>
    %eq3A_18 = arith.cmpi eq, %iota3A, %eq3A_17 : vector<2048x128xi32>
    %jit3A_19 = arith.constant -1.000000e+30 : f32
    %broadcast_in_dim3A_20 = vector.broadcast %jit3A_19 : f32 to vector<2048x128xf32>
    %select_n3A_21 = arith.select %eq3A_18, %broadcast_in_dim3A_20, %select_n3A : vector<2048x128xi1>, vector<2048x128xf32>
    %reduce_max3A_22 = arith.constant dense<0xFF800000> : vector<2048xf32>
    %reduce_max3A_23 = vector.multi_reduction <maximumf>, %select_n3A_21, %reduce_max3A_22 [1] : vector<2048x128xf32> to vector<2048xf32>
    %broadcast_in_dim3A_24 = vector.shape_cast %reduce_max3A_23 : vector<2048xf32> to vector<2048x1xf32>
    %eq3A_25 = vector.broadcast %broadcast_in_dim3A_24 : vector<2048x1xf32> to vector<2048x128xf32>
    %eq3A_26 = arith.cmpf oeq, %select_n3A_21, %eq3A_25 : vector<2048x128xf32>
    %jit3A_27 = arith.constant 128 : i32
    %broadcast_in_dim3A_28 = vector.broadcast %jit3A_27 : i32 to vector<2048x128xi32>
    %select_n3A_29 = arith.select %eq3A_26, %iota3A, %broadcast_in_dim3A_28 : vector<2048x128xi1>, vector<2048x128xi32>
    %reduce_min3A_30 = arith.constant dense<2147483647> : vector<2048xi32>
    %reduce_min3A_31 = vector.multi_reduction <minsi>, %select_n3A_29, %reduce_min3A_30 [1] : vector<2048x128xi32> to vector<2048xi32>
    %broadcast_in_dim3A_32 = vector.shape_cast %reduce_min3A_31 : vector<2048xi32> to vector<2048x1xi32>
    %sub3A = arith.subf %broadcast_in_dim3A_24, %broadcast_in_dim3A_10 : vector<2048x1xf32>
    %exp3A = math.exp %sub3A : vector<2048x1xf32>
    %add3A = arith.constant 1.000000e+00 : f32
    %add3A_33 = vector.broadcast %add3A : f32 to vector<2048x1xf32>
    %add3A_34 = arith.addf %add3A_33, %exp3A : vector<2048x1xf32>
    %div3A = arith.constant 1.000000e+00 : f32
    %div3A_35 = vector.broadcast %div3A : f32 to vector<2048x1xf32>
    %div3A_36 = arith.divf %div3A_35, %add3A_34 : vector<2048x1xf32>
    %swap3A = arith.constant 0 : index
    %swap3A_37 = arith.constant 0 : index
    %swap3A_38 = vector.load %arg5[%swap3A, %swap3A_37] : memref<2048x1xf32, #tpu.memory_space<vmem>>, vector<2048x1xf32>
    tpu.vector_store %arg5[%swap3A, %swap3A_37], %div3A_36 {strides = array<i32>} : memref<2048x1xf32, #tpu.memory_space<vmem>>, vector<2048x1xf32>,
    %add3A_39 = arith.constant 1.000000e+00 : f32
    %add3A_40 = vector.broadcast %add3A_39 : f32 to vector<2048x1xf32>
    %add3A_41 = arith.addf %add3A_40, %exp3A : vector<2048x1xf32>
    %div3A_42 = arith.divf %exp3A, %add3A_41 : vector<2048x1xf32>
    %swap3A_43 = arith.constant 0 : index
    %swap3A_44 = arith.constant 0 : index
    %swap3A_45 = vector.load %arg6[%swap3A_43, %swap3A_44] : memref<2048x1xf32, #tpu.memory_space<vmem>>, vector<2048x1xf32>
    tpu.vector_store %arg6[%swap3A_43, %swap3A_44], %div3A_42 {strides = array<i32>} : memref<2048x1xf32, #tpu.memory_space<vmem>>, vector<2048x1xf32>,
    %eq3A_46 = vector.broadcast %broadcast_in_dim3A_16 : vector<2048x1xi32> to vector<2048x128xi32>
    %eq3A_47 = arith.cmpi eq, %iota3A, %eq3A_46 : vector<2048x128xi32>
    %eq3A_48 = vector.broadcast %broadcast_in_dim3A_32 : vector<2048x1xi32> to vector<2048x128xi32>
    %eq3A_49 = arith.cmpi eq, %iota3A, %eq3A_48 : vector<2048x128xi32>
    %convert_element_type3A_50 = arith.extui %eq3A_47 : vector<2048x128xi1> to vector<2048x128xi32>
    %convert_element_type3A_51 = arith.sitofp %convert_element_type3A_50 : vector<2048x128xi32> to vector<2048x128xf32>
    %convert_element_type3A_52 = arith.truncf %convert_element_type3A_51 : vector<2048x128xf32> to vector<2048x128xbf16>
    %convert_element_type3A_53 = arith.extui %eq3A_49 : vector<2048x128xi1> to vector<2048x128xi32>
    %convert_element_type3A_54 = arith.sitofp %convert_element_type3A_53 : vector<2048x128xi32> to vector<2048x128xf32>
    %convert_element_type3A_55 = arith.truncf %convert_element_type3A_54 : vector<2048x128xf32> to vector<2048x128xbf16>
    %iota3A_56 = tpu.iota {dimensions = array<i32: 0>} : vector<256x256xi32>
    %iota3A_57 = tpu.iota {dimensions = array<i32: 1>} : vector<256x256xi32>
    %lt3A_58 = arith.cmpi slt, %iota3A_57, %iota3A_56 : vector<256x256xi32>
    %convert_element_type3A_59 = arith.extui %lt3A_58 : vector<256x256xi1> to vector<256x256xi32>
    %convert_element_type3A_60 = arith.sitofp %convert_element_type3A_59 : vector<256x256xi32> to vector<256x256xf32>
    %convert_element_type3A_61 = arith.truncf %convert_element_type3A_60 : vector<256x256xf32> to vector<256x256xbf16>
    %broadcast_in_dim3A_62 = arith.constant 0.000000e+00 : f32
    %broadcast_in_dim3A_63 = vector.broadcast %broadcast_in_dim3A_62 : f32 to vector<1x128xf32>
    %slice3A = vector.extract_strided_slice %convert_element_type3A_52 {offsets = [0, 0], sizes = [256, 128], strides = [1, 1]} : vector<2048x128xbf16> to vector<256x128xbf16>
    %dot_general3A_64 = arith.constant dense<0.000000e+00> : vector<256x128xf32>
    %dot_general3A_65 = tpu.matmul %convert_element_type3A_61, %slice3A, %dot_general3A_64 {dimension_numbers = #tpu.dot_dimension_numbers<[1], [0], [0], [1], [0, 0, 1, 1], [], []>, transpose_lhs_hint = false} : vector<256x256xbf16>, vector<256x128xbf16>, vector<256x128xf32> -> vector<256x128xf32>
    %add3A_66 = vector.broadcast %broadcast_in_dim3A_63 : vector<1x128xf32> to vector<256x128xf32>
    %add3A_67 = arith.addf %dot_general3A_65, %add3A_66 : vector<256x128xf32>
    %convert_element_type3A_68 = arith.extf %slice3A : vector<256x128xbf16> to vector<256x128xf32>
    %reduce_sum3A = arith.constant dense<0.000000e+00> : vector<128xf32>
    %reduce_sum3A_69 = vector.multi_reduction <add>, %convert_element_type3A_68, %reduce_sum3A [0] : vector<256x128xf32> to vector<128xf32>
    %broadcast_in_dim3A_70 = vector.shape_cast %reduce_sum3A_69 : vector<128xf32> to vector<1x128xf32>
    %add3A_71 = arith.addf %broadcast_in_dim3A_63, %broadcast_in_dim3A_70 : vector<1x128xf32>
    %slice3A_72 = vector.extract_strided_slice %convert_element_type3A_52 {offsets = [256, 0], sizes = [256, 128], strides = [1, 1]} : vector<2048x128xbf16> to vector<256x128xbf16>
    %dot_general3A_73 = arith.constant dense<0.000000e+00> : vector<256x128xf32>
    %dot_general3A_74 = tpu.matmul %convert_element_type3A_61, %slice3A_72, %dot_general3A_73 {dimension_numbers = #tpu.dot_dimension_numbers<[1], [0], [0], [1], [0, 0, 1, 1], [], []>, transpose_lhs_hint = false} : vector<256x256xbf16>, vector<256x128xbf16>, vector<256x128xf32> -> vector<256x128xf32>
    %add3A_75 = vector.broadcast %add3A_71 : vector<1x128xf32> to vector<256x128xf32>
    %add3A_76 = arith.addf %dot_general3A_74, %add3A_75 : vector<256x128xf32>
    %convert_element_type3A_77 = arith.extf %slice3A_72 : vector<256x128xbf16> to vector<256x128xf32>
    %reduce_sum3A_78 = arith.constant dense<0.000000e+00> : vector<128xf32>
    %reduce_sum3A_79 = vector.multi_reduction <add>, %convert_element_type3A_77, %reduce_sum3A_78 [0] : vector<256x128xf32> to vector<128xf32>
    %broadcast_in_dim3A_80 = vector.shape_cast %reduce_sum3A_79 : vector<128xf32> to vector<1x128xf32>
    %add3A_81 = arith.addf %add3A_71, %broadcast_in_dim3A_80 : vector<1x128xf32>
    %slice3A_82 = vector.extract_strided_slice %convert_element_type3A_52 {offsets = [512, 0], sizes = [256, 128], strides = [1, 1]} : vector<2048x128xbf16> to vector<256x128xbf16>
    %dot_general3A_83 = arith.constant dense<0.000000e+00> : vector<256x128xf32>
    %dot_general3A_84 = tpu.matmul %convert_element_type3A_61, %slice3A_82, %dot_general3A_83 {dimension_numbers = #tpu.dot_dimension_numbers<[1], [0], [0], [1], [0, 0, 1, 1], [], []>, transpose_lhs_hint = false} : vector<256x256xbf16>, vector<256x128xbf16>, vector<256x128xf32> -> vector<256x128xf32>
    %add3A_85 = vector.broadcast %add3A_81 : vector<1x128xf32> to vector<256x128xf32>
    %add3A_86 = arith.addf %dot_general3A_84, %add3A_85 : vector<256x128xf32>
    %convert_element_type3A_87 = arith.extf %slice3A_82 : vector<256x128xbf16> to vector<256x128xf32>
    %reduce_sum3A_88 = arith.constant dense<0.000000e+00> : vector<128xf32>
    %reduce_sum3A_89 = vector.multi_reduction <add>, %convert_element_type3A_87, %reduce_sum3A_88 [0] : vector<256x128xf32> to vector<128xf32>
    %broadcast_in_dim3A_90 = vector.shape_cast %reduce_sum3A_89 : vector<128xf32> to vector<1x128xf32>
    %add3A_91 = arith.addf %add3A_81, %broadcast_in_dim3A_90 : vector<1x128xf32>
    %slice3A_92 = vector.extract_strided_slice %convert_element_type3A_52 {offsets = [768, 0], sizes = [256, 128], strides = [1, 1]} : vector<2048x128xbf16> to vector<256x128xbf16>
    %dot_general3A_93 = arith.constant dense<0.000000e+00> : vector<256x128xf32>
    %dot_general3A_94 = tpu.matmul %convert_element_type3A_61, %slice3A_92, %dot_general3A_93 {dimension_numbers = #tpu.dot_dimension_numbers<[1], [0], [0], [1], [0, 0, 1, 1], [], []>, transpose_lhs_hint = false} : vector<256x256xbf16>, vector<256x128xbf16>, vector<256x128xf32> -> vector<256x128xf32>
    %add3A_95 = vector.broadcast %add3A_91 : vector<1x128xf32> to vector<256x128xf32>
    %add3A_96 = arith.addf %dot_general3A_94, %add3A_95 : vector<256x128xf32>
    %convert_element_type3A_97 = arith.extf %slice3A_92 : vector<256x128xbf16> to vector<256x128xf32>
    %reduce_sum3A_98 = arith.constant dense<0.000000e+00> : vector<128xf32>
    %reduce_sum3A_99 = vector.multi_reduction <add>, %convert_element_type3A_97, %reduce_sum3A_98 [0] : vector<256x128xf32> to vector<128xf32>
    %broadcast_in_dim3A_100 = vector.shape_cast %reduce_sum3A_99 : vector<128xf32> to vector<1x128xf32>
    %add3A_101 = arith.addf %add3A_91, %broadcast_in_dim3A_100 : vector<1x128xf32>
    %slice3A_102 = vector.extract_strided_slice %convert_element_type3A_52 {offsets = [1024, 0], sizes = [256, 128], strides = [1, 1]} : vector<2048x128xbf16> to vector<256x128xbf16>
    %dot_general3A_103 = arith.constant dense<0.000000e+00> : vector<256x128xf32>
    %dot_general3A_104 = tpu.matmul %convert_element_type3A_61, %slice3A_102, %dot_general3A_103 {dimension_numbers = #tpu.dot_dimension_numbers<[1], [0], [0], [1], [0, 0, 1, 1], [], []>, transpose_lhs_hint = false} : vector<256x256xbf16>, vector<256x128xbf16>, vector<256x128xf32> -> vector<256x128xf32>
    %add3A_105 = vector.broadcast %add3A_101 : vector<1x128xf32> to vector<256x128xf32>
    %add3A_106 = arith.addf %dot_general3A_104, %add3A_105 : vector<256x128xf32>
    %convert_element_type3A_107 = arith.extf %slice3A_102 : vector<256x128xbf16> to vector<256x128xf32>
    %reduce_sum3A_108 = arith.constant dense<0.000000e+00> : vector<128xf32>
    %reduce_sum3A_109 = vector.multi_reduction <add>, %convert_element_type3A_107, %reduce_sum3A_108 [0] : vector<256x128xf32> to vector<128xf32>
    %broadcast_in_dim3A_110 = vector.shape_cast %reduce_sum3A_109 : vector<128xf32> to vector<1x128xf32>
    %add3A_111 = arith.addf %add3A_101, %broadcast_in_dim3A_110 : vector<1x128xf32>
    %slice3A_112 = vector.extract_strided_slice %convert_element_type3A_52 {offsets = [1280, 0], sizes = [256, 128], strides = [1, 1]} : vector<2048x128xbf16> to vector<256x128xbf16>
    %dot_general3A_113 = arith.constant dense<0.000000e+00> : vector<256x128xf32>
    %dot_general3A_114 = tpu.matmul %convert_element_type3A_61, %slice3A_112, %dot_general3A_113 {dimension_numbers = #tpu.dot_dimension_numbers<[1], [0], [0], [1], [0, 0, 1, 1], [], []>, transpose_lhs_hint = false} : vector<256x256xbf16>, vector<256x128xbf16>, vector<256x128xf32> -> vector<256x128xf32>
    %add3A_115 = vector.broadcast %add3A_111 : vector<1x128xf32> to vector<256x128xf32>
    %add3A_116 = arith.addf %dot_general3A_114, %add3A_115 : vector<256x128xf32>
    %convert_element_type3A_117 = arith.extf %slice3A_112 : vector<256x128xbf16> to vector<256x128xf32>
    %reduce_sum3A_118 = arith.constant dense<0.000000e+00> : vector<128xf32>
    %reduce_sum3A_119 = vector.multi_reduction <add>, %convert_element_type3A_117, %reduce_sum3A_118 [0] : vector<256x128xf32> to vector<128xf32>
    %broadcast_in_dim3A_120 = vector.shape_cast %reduce_sum3A_119 : vector<128xf32> to vector<1x128xf32>
    %add3A_121 = arith.addf %add3A_111, %broadcast_in_dim3A_120 : vector<1x128xf32>
    %slice3A_122 = vector.extract_strided_slice %convert_element_type3A_52 {offsets = [1536, 0], sizes = [256, 128], strides = [1, 1]} : vector<2048x128xbf16> to vector<256x128xbf16>
    %dot_general3A_123 = arith.constant dense<0.000000e+00> : vector<256x128xf32>
    %dot_general3A_124 = tpu.matmul %convert_element_type3A_61, %slice3A_122, %dot_general3A_123 {dimension_numbers = #tpu.dot_dimension_numbers<[1], [0], [0], [1], [0, 0, 1, 1], [], []>, transpose_lhs_hint = false} : vector<256x256xbf16>, vector<256x128xbf16>, vector<256x128xf32> -> vector<256x128xf32>
    %add3A_125 = vector.broadcast %add3A_121 : vector<1x128xf32> to vector<256x128xf32>
    %add3A_126 = arith.addf %dot_general3A_124, %add3A_125 : vector<256x128xf32>
    %convert_element_type3A_127 = arith.extf %slice3A_122 : vector<256x128xbf16> to vector<256x128xf32>
    %reduce_sum3A_128 = arith.constant dense<0.000000e+00> : vector<128xf32>
    %reduce_sum3A_129 = vector.multi_reduction <add>, %convert_element_type3A_127, %reduce_sum3A_128 [0] : vector<256x128xf32> to vector<128xf32>
    %broadcast_in_dim3A_130 = vector.shape_cast %reduce_sum3A_129 : vector<128xf32> to vector<1x128xf32>
    %add3A_131 = arith.addf %add3A_121, %broadcast_in_dim3A_130 : vector<1x128xf32>
    %slice3A_132 = vector.extract_strided_slice %convert_element_type3A_52 {offsets = [1792, 0], sizes = [256, 128], strides = [1, 1]} : vector<2048x128xbf16> to vector<256x128xbf16>
    %dot_general3A_133 = arith.constant dense<0.000000e+00> : vector<256x128xf32>
    %dot_general3A_134 = tpu.matmul %convert_element_type3A_61, %slice3A_132, %dot_general3A_133 {dimension_numbers = #tpu.dot_dimension_numbers<[1], [0], [0], [1], [0, 0, 1, 1], [], []>, transpose_lhs_hint = false} : vector<256x256xbf16>, vector<256x128xbf16>, vector<256x128xf32> -> vector<256x128xf32>
    %add3A_135 = vector.broadcast %add3A_131 : vector<1x128xf32> to vector<256x128xf32>
    %add3A_136 = arith.addf %dot_general3A_134, %add3A_135 : vector<256x128xf32>
    %convert_element_type3A_137 = arith.extf %slice3A_132 : vector<256x128xbf16> to vector<256x128xf32>
    %reduce_sum3A_138 = arith.constant dense<0.000000e+00> : vector<128xf32>
    %reduce_sum3A_139 = vector.multi_reduction <add>, %convert_element_type3A_137, %reduce_sum3A_138 [0] : vector<256x128xf32> to vector<128xf32>
    %broadcast_in_dim3A_140 = vector.shape_cast %reduce_sum3A_139 : vector<128xf32> to vector<1x128xf32>
    %add3A_141 = arith.addf %add3A_131, %broadcast_in_dim3A_140 : vector<1x128xf32>
    %concatenate3A = tpu.concatenate %add3A_67, %add3A_76, %add3A_86, %add3A_96, %add3A_106, %add3A_116, %add3A_126, %add3A_136 in 0 : vector<256x128xf32>, vector<256x128xf32>, vector<256x128xf32>, vector<256x128xf32>, vector<256x128xf32>, vector<256x128xf32>, vector<256x128xf32>, vector<256x128xf32> -> vector<2048x128xf32>
    %broadcast_in_dim3A_142 = arith.constant 0.000000e+00 : f32
    %broadcast_in_dim3A_143 = vector.broadcast %broadcast_in_dim3A_142 : f32 to vector<1x128xf32>
    %slice3A_144 = vector.extract_strided_slice %convert_element_type3A_55 {offsets = [0, 0], sizes = [256, 128], strides = [1, 1]} : vector<2048x128xbf16> to vector<256x128xbf16>
    %dot_general3A_145 = arith.constant dense<0.000000e+00> : vector<256x128xf32>
    %dot_general3A_146 = tpu.matmul %convert_element_type3A_61, %slice3A_144, %dot_general3A_145 {dimension_numbers = #tpu.dot_dimension_numbers<[1], [0], [0], [1], [0, 0, 1, 1], [], []>, transpose_lhs_hint = false} : vector<256x256xbf16>, vector<256x128xbf16>, vector<256x128xf32> -> vector<256x128xf32>
    %add3A_147 = vector.broadcast %broadcast_in_dim3A_143 : vector<1x128xf32> to vector<256x128xf32>
    %add3A_148 = arith.addf %dot_general3A_146, %add3A_147 : vector<256x128xf32>
    %convert_element_type3A_149 = arith.extf %slice3A_144 : vector<256x128xbf16> to vector<256x128xf32>
    %reduce_sum3A_150 = arith.constant dense<0.000000e+00> : vector<128xf32>
    %reduce_sum3A_151 = vector.multi_reduction <add>, %convert_element_type3A_149, %reduce_sum3A_150 [0] : vector<256x128xf32> to vector<128xf32>
    %broadcast_in_dim3A_152 = vector.shape_cast %reduce_sum3A_151 : vector<128xf32> to vector<1x128xf32>
    %add3A_153 = arith.addf %broadcast_in_dim3A_143, %broadcast_in_dim3A_152 : vector<1x128xf32>
    %slice3A_154 = vector.extract_strided_slice %convert_element_type3A_55 {offsets = [256, 0], sizes = [256, 128], strides = [1, 1]} : vector<2048x128xbf16> to vector<256x128xbf16>
    %dot_general3A_155 = arith.constant dense<0.000000e+00> : vector<256x128xf32>
    %dot_general3A_156 = tpu.matmul %convert_element_type3A_61, %slice3A_154, %dot_general3A_155 {dimension_numbers = #tpu.dot_dimension_numbers<[1], [0], [0], [1], [0, 0, 1, 1], [], []>, transpose_lhs_hint = false} : vector<256x256xbf16>, vector<256x128xbf16>, vector<256x128xf32> -> vector<256x128xf32>
    %add3A_157 = vector.broadcast %add3A_153 : vector<1x128xf32> to vector<256x128xf32>
    %add3A_158 = arith.addf %dot_general3A_156, %add3A_157 : vector<256x128xf32>
    %convert_element_type3A_159 = arith.extf %slice3A_154 : vector<256x128xbf16> to vector<256x128xf32>
    %reduce_sum3A_160 = arith.constant dense<0.000000e+00> : vector<128xf32>
    %reduce_sum3A_161 = vector.multi_reduction <add>, %convert_element_type3A_159, %reduce_sum3A_160 [0] : vector<256x128xf32> to vector<128xf32>
    %broadcast_in_dim3A_162 = vector.shape_cast %reduce_sum3A_161 : vector<128xf32> to vector<1x128xf32>
    %add3A_163 = arith.addf %add3A_153, %broadcast_in_dim3A_162 : vector<1x128xf32>
    %slice3A_164 = vector.extract_strided_slice %convert_element_type3A_55 {offsets = [512, 0], sizes = [256, 128], strides = [1, 1]} : vector<2048x128xbf16> to vector<256x128xbf16>
    %dot_general3A_165 = arith.constant dense<0.000000e+00> : vector<256x128xf32>
    %dot_general3A_166 = tpu.matmul %convert_element_type3A_61, %slice3A_164, %dot_general3A_165 {dimension_numbers = #tpu.dot_dimension_numbers<[1], [0], [0], [1], [0, 0, 1, 1], [], []>, transpose_lhs_hint = false} : vector<256x256xbf16>, vector<256x128xbf16>, vector<256x128xf32> -> vector<256x128xf32>
    %add3A_167 = vector.broadcast %add3A_163 : vector<1x128xf32> to vector<256x128xf32>
    %add3A_168 = arith.addf %dot_general3A_166, %add3A_167 : vector<256x128xf32>
    %convert_element_type3A_169 = arith.extf %slice3A_164 : vector<256x128xbf16> to vector<256x128xf32>
    %reduce_sum3A_170 = arith.constant dense<0.000000e+00> : vector<128xf32>
    %reduce_sum3A_171 = vector.multi_reduction <add>, %convert_element_type3A_169, %reduce_sum3A_170 [0] : vector<256x128xf32> to vector<128xf32>
    %broadcast_in_dim3A_172 = vector.shape_cast %reduce_sum3A_171 : vector<128xf32> to vector<1x128xf32>
    %add3A_173 = arith.addf %add3A_163, %broadcast_in_dim3A_172 : vector<1x128xf32>
    %slice3A_174 = vector.extract_strided_slice %convert_element_type3A_55 {offsets = [768, 0], sizes = [256, 128], strides = [1, 1]} : vector<2048x128xbf16> to vector<256x128xbf16>
    %dot_general3A_175 = arith.constant dense<0.000000e+00> : vector<256x128xf32>
    %dot_general3A_176 = tpu.matmul %convert_element_type3A_61, %slice3A_174, %dot_general3A_175 {dimension_numbers = #tpu.dot_dimension_numbers<[1], [0], [0], [1], [0, 0, 1, 1], [], []>, transpose_lhs_hint = false} : vector<256x256xbf16>, vector<256x128xbf16>, vector<256x128xf32> -> vector<256x128xf32>
    %add3A_177 = vector.broadcast %add3A_173 : vector<1x128xf32> to vector<256x128xf32>
    %add3A_178 = arith.addf %dot_general3A_176, %add3A_177 : vector<256x128xf32>
    %convert_element_type3A_179 = arith.extf %slice3A_174 : vector<256x128xbf16> to vector<256x128xf32>
    %reduce_sum3A_180 = arith.constant dense<0.000000e+00> : vector<128xf32>
    %reduce_sum3A_181 = vector.multi_reduction <add>, %convert_element_type3A_179, %reduce_sum3A_180 [0] : vector<256x128xf32> to vector<128xf32>
    %broadcast_in_dim3A_182 = vector.shape_cast %reduce_sum3A_181 : vector<128xf32> to vector<1x128xf32>
    %add3A_183 = arith.addf %add3A_173, %broadcast_in_dim3A_182 : vector<1x128xf32>
    %slice3A_184 = vector.extract_strided_slice %convert_element_type3A_55 {offsets = [1024, 0], sizes = [256, 128], strides = [1, 1]} : vector<2048x128xbf16> to vector<256x128xbf16>
    %dot_general3A_185 = arith.constant dense<0.000000e+00> : vector<256x128xf32>
    %dot_general3A_186 = tpu.matmul %convert_element_type3A_61, %slice3A_184, %dot_general3A_185 {dimension_numbers = #tpu.dot_dimension_numbers<[1], [0], [0], [1], [0, 0, 1, 1], [], []>, transpose_lhs_hint = false} : vector<256x256xbf16>, vector<256x128xbf16>, vector<256x128xf32> -> vector<256x128xf32>
    %add3A_187 = vector.broadcast %add3A_183 : vector<1x128xf32> to vector<256x128xf32>
    %add3A_188 = arith.addf %dot_general3A_186, %add3A_187 : vector<256x128xf32>
    %convert_element_type3A_189 = arith.extf %slice3A_184 : vector<256x128xbf16> to vector<256x128xf32>
    %reduce_sum3A_190 = arith.constant dense<0.000000e+00> : vector<128xf32>
    %reduce_sum3A_191 = vector.multi_reduction <add>, %convert_element_type3A_189, %reduce_sum3A_190 [0] : vector<256x128xf32> to vector<128xf32>
    %broadcast_in_dim3A_192 = vector.shape_cast %reduce_sum3A_191 : vector<128xf32> to vector<1x128xf32>
    %add3A_193 = arith.addf %add3A_183, %broadcast_in_dim3A_192 : vector<1x128xf32>
    %slice3A_194 = vector.extract_strided_slice %convert_element_type3A_55 {offsets = [1280, 0], sizes = [256, 128], strides = [1, 1]} : vector<2048x128xbf16> to vector<256x128xbf16>
    %dot_general3A_195 = arith.constant dense<0.000000e+00> : vector<256x128xf32>
    %dot_general3A_196 = tpu.matmul %convert_element_type3A_61, %slice3A_194, %dot_general3A_195 {dimension_numbers = #tpu.dot_dimension_numbers<[1], [0], [0], [1], [0, 0, 1, 1], [], []>, transpose_lhs_hint = false} : vector<256x256xbf16>, vector<256x128xbf16>, vector<256x128xf32> -> vector<256x128xf32>
    %add3A_197 = vector.broadcast %add3A_193 : vector<1x128xf32> to vector<256x128xf32>
    %add3A_198 = arith.addf %dot_general3A_196, %add3A_197 : vector<256x128xf32>
    %convert_element_type3A_199 = arith.extf %slice3A_194 : vector<256x128xbf16> to vector<256x128xf32>
    %reduce_sum3A_200 = arith.constant dense<0.000000e+00> : vector<128xf32>
    %reduce_sum3A_201 = vector.multi_reduction <add>, %convert_element_type3A_199, %reduce_sum3A_200 [0] : vector<256x128xf32> to vector<128xf32>
    %broadcast_in_dim3A_202 = vector.shape_cast %reduce_sum3A_201 : vector<128xf32> to vector<1x128xf32>
    %add3A_203 = arith.addf %add3A_193, %broadcast_in_dim3A_202 : vector<1x128xf32>
    %slice3A_204 = vector.extract_strided_slice %convert_element_type3A_55 {offsets = [1536, 0], sizes = [256, 128], strides = [1, 1]} : vector<2048x128xbf16> to vector<256x128xbf16>
    %dot_general3A_205 = arith.constant dense<0.000000e+00> : vector<256x128xf32>
    %dot_general3A_206 = tpu.matmul %convert_element_type3A_61, %slice3A_204, %dot_general3A_205 {dimension_numbers = #tpu.dot_dimension_numbers<[1], [0], [0], [1], [0, 0, 1, 1], [], []>, transpose_lhs_hint = false} : vector<256x256xbf16>, vector<256x128xbf16>, vector<256x128xf32> -> vector<256x128xf32>
    %add3A_207 = vector.broadcast %add3A_203 : vector<1x128xf32> to vector<256x128xf32>
    %add3A_208 = arith.addf %dot_general3A_206, %add3A_207 : vector<256x128xf32>
    %convert_element_type3A_209 = arith.extf %slice3A_204 : vector<256x128xbf16> to vector<256x128xf32>
    %reduce_sum3A_210 = arith.constant dense<0.000000e+00> : vector<128xf32>
    %reduce_sum3A_211 = vector.multi_reduction <add>, %convert_element_type3A_209, %reduce_sum3A_210 [0] : vector<256x128xf32> to vector<128xf32>
    %broadcast_in_dim3A_212 = vector.shape_cast %reduce_sum3A_211 : vector<128xf32> to vector<1x128xf32>
    %add3A_213 = arith.addf %add3A_203, %broadcast_in_dim3A_212 : vector<1x128xf32>
    %slice3A_214 = vector.extract_strided_slice %convert_element_type3A_55 {offsets = [1792, 0], sizes = [256, 128], strides = [1, 1]} : vector<2048x128xbf16> to vector<256x128xbf16>
    %dot_general3A_215 = arith.constant dense<0.000000e+00> : vector<256x128xf32>
    %dot_general3A_216 = tpu.matmul %convert_element_type3A_61, %slice3A_214, %dot_general3A_215 {dimension_numbers = #tpu.dot_dimension_numbers<[1], [0], [0], [1], [0, 0, 1, 1], [], []>, transpose_lhs_hint = false} : vector<256x256xbf16>, vector<256x128xbf16>, vector<256x128xf32> -> vector<256x128xf32>
    %add3A_217 = vector.broadcast %add3A_213 : vector<1x128xf32> to vector<256x128xf32>
    %add3A_218 = arith.addf %dot_general3A_216, %add3A_217 : vector<256x128xf32>
    %convert_element_type3A_219 = arith.extf %slice3A_214 : vector<256x128xbf16> to vector<256x128xf32>
    %reduce_sum3A_220 = arith.constant dense<0.000000e+00> : vector<128xf32>
    %reduce_sum3A_221 = vector.multi_reduction <add>, %convert_element_type3A_219, %reduce_sum3A_220 [0] : vector<256x128xf32> to vector<128xf32>
    %broadcast_in_dim3A_222 = vector.shape_cast %reduce_sum3A_221 : vector<128xf32> to vector<1x128xf32>
    %add3A_223 = arith.addf %add3A_213, %broadcast_in_dim3A_222 : vector<1x128xf32>
    %concatenate3A_224 = tpu.concatenate %add3A_148, %add3A_158, %add3A_168, %add3A_178, %add3A_188, %add3A_198, %add3A_208, %add3A_218 in 0 : vector<256x128xf32>, vector<256x128xf32>, vector<256x128xf32>, vector<256x128xf32>, vector<256x128xf32>, vector<256x128xf32>, vector<256x128xf32>, vector<256x128xf32> -> vector<2048x128xf32>
    %add3A_225 = arith.addf %add3A_141, %add3A_223 : vector<1x128xf32>
    %convert_element_type3A_226 = arith.fptosi %add3A_225 : vector<1x128xf32> to vector<1x128xi32>
    %add3A_227 = arith.constant 127 : i32
    %add3A_228 = vector.broadcast %add3A_227 : i32 to vector<1x128xi32>
    %add3A_229 = arith.addi %convert_element_type3A_226, %add3A_228 : vector<1x128xi32>
    %jit3A_230 = arith.constant 128 : i32
    %div3A_231 = vector.broadcast %jit3A_230 : i32 to vector<1x128xi32>
    %div3A_232 = arith.divsi %add3A_229, %div3A_231 : vector<1x128xi32>
    %sign3A = arith.constant 0 : i32
    %sign3A_233 = vector.broadcast %sign3A : i32 to vector<1x128xi32>
    %sign3A_234 = arith.cmpi sgt, %add3A_229, %sign3A_233 : vector<1x128xi32>
    %sign3A_235 = arith.extui %sign3A_234 : vector<1x128xi1> to vector<1x128xi32>
    %sign3A_236 = arith.constant 0 : i32
    %sign3A_237 = vector.broadcast %sign3A_236 : i32 to vector<1x128xi32>
    %sign3A_238 = arith.cmpi slt, %add3A_229, %sign3A_237 : vector<1x128xi32>
    %sign3A_239 = arith.extui %sign3A_238 : vector<1x128xi1> to vector<1x128xi32>
    %sign3A_240 = arith.subi %sign3A_235, %sign3A_239 : vector<1x128xi32>
    %sign3A_241 = arith.constant 0 : i32
    %sign3A_242 = arith.cmpi sgt, %jit3A_230, %sign3A_241 : i32
    %sign3A_243 = arith.extui %sign3A_242 : i1 to i32
    %sign3A_244 = arith.constant 0 : i32
    %sign3A_245 = arith.cmpi slt, %jit3A_230, %sign3A_244 : i32
    %sign3A_246 = arith.extui %sign3A_245 : i1 to i32
    %sign3A_247 = arith.subi %sign3A_243, %sign3A_246 : i32
    %ne3A = vector.broadcast %sign3A_247 : i32 to vector<1x128xi32>
    %ne3A_248 = arith.cmpi ne, %sign3A_240, %ne3A : vector<1x128xi32>
    %rem3A = vector.broadcast %jit3A_230 : i32 to vector<1x128xi32>
    %rem3A_249 = arith.remsi %add3A_229, %rem3A : vector<1x128xi32>
    %ne3A_250 = arith.constant 0 : i32
    %ne3A_251 = vector.broadcast %ne3A_250 : i32 to vector<1x128xi32>
    %ne3A_252 = arith.cmpi ne, %rem3A_249, %ne3A_251 : vector<1x128xi32>
    %and3A = arith.andi %ne3A_248, %ne3A_252 : vector<1x128xi1>
    %sub3A_253 = arith.constant 1 : i32
    %sub3A_254 = vector.broadcast %sub3A_253 : i32 to vector<1x128xi32>
    %sub3A_255 = arith.subi %div3A_232, %sub3A_254 : vector<1x128xi32>
    %select_n3A_256 = arith.select %and3A, %sub3A_255, %div3A_232 : vector<1x128xi1>, vector<1x128xi32>
    %mul3A = arith.constant 128 : i32
    %mul3A_257 = vector.broadcast %mul3A : i32 to vector<1x128xi32>
    %mul3A_258 = arith.muli %select_n3A_256, %mul3A_257 : vector<1x128xi32>
    %convert_element_type3A_259 = arith.sitofp %mul3A_258 : vector<1x128xi32> to vector<1x128xf32>
    %iota3A_260 = tpu.iota {dimensions = array<i32: 0>} : vector<128x128xi32>
    %iota3A_261 = tpu.iota {dimensions = array<i32: 1>} : vector<128x128xi32>
    %lt3A_262 = arith.cmpi slt, %iota3A_260, %iota3A_261 : vector<128x128xi32>
    %convert_element_type3A_263 = arith.extui %lt3A_262 : vector<128x128xi1> to vector<128x128xi32>
    %convert_element_type3A_264 = arith.sitofp %convert_element_type3A_263 : vector<128x128xi32> to vector<128x128xf32>
    %dot_general3A_265 = arith.constant dense<0.000000e+00> : vector<1x128xf32>
    %dot_general3A_266 = tpu.matmul %convert_element_type3A_259, %convert_element_type3A_264, %dot_general3A_265 {dimension_numbers = #tpu.dot_dimension_numbers<[1], [0], [0], [1], [0, 0, 1, 1], [], []>, precision = #tpu.contract_precision<fp32>, transpose_lhs_hint = false} : vector<1x128xf32>, vector<128x128xf32>, vector<1x128xf32> -> vector<1x128xf32>
    %convert_element_type3A_267 = arith.extui %eq3A_47 : vector<2048x128xi1> to vector<2048x128xi32>
    %convert_element_type3A_268 = arith.sitofp %convert_element_type3A_267 : vector<2048x128xi32> to vector<2048x128xf32>
    %convert_element_type3A_269 = arith.extui %eq3A_49 : vector<2048x128xi1> to vector<2048x128xi32>
    %convert_element_type3A_270 = arith.sitofp %convert_element_type3A_269 : vector<2048x128xi32> to vector<2048x128xf32>
    %add3A_271 = vector.broadcast %dot_general3A_266 : vector<1x128xf32> to vector<2048x128xf32>
    %add3A_272 = arith.addf %add3A_271, %concatenate3A : vector<2048x128xf32>
    %mul3A_273 = arith.mulf %convert_element_type3A_268, %add3A_272 : vector<2048x128xf32>
    %reduce_sum3A_274 = arith.constant dense<0.000000e+00> : vector<2048xf32>
    %reduce_sum3A_275 = vector.multi_reduction <add>, %mul3A_273, %reduce_sum3A_274 [1] : vector<2048x128xf32> to vector<2048xf32>
    %broadcast_in_dim3A_276 = vector.shape_cast %reduce_sum3A_275 : vector<2048xf32> to vector<2048x1xf32>
    %add3A_277 = arith.addf %dot_general3A_266, %add3A_141 : vector<1x128xf32>
    %add3A_278 = vector.broadcast %add3A_277 : vector<1x128xf32> to vector<2048x128xf32>
    %add3A_279 = arith.addf %add3A_278, %concatenate3A_224 : vector<2048x128xf32>
    %mul3A_280 = arith.mulf %convert_element_type3A_270, %add3A_279 : vector<2048x128xf32>
    %reduce_sum3A_281 = arith.constant dense<0.000000e+00> : vector<2048xf32>
    %reduce_sum3A_282 = vector.multi_reduction <add>, %mul3A_280, %reduce_sum3A_281 [1] : vector<2048x128xf32> to vector<2048xf32>
    %broadcast_in_dim3A_283 = vector.shape_cast %reduce_sum3A_282 : vector<2048xf32> to vector<2048x1xf32>
    %convert_element_type3A_284 = arith.fptosi %broadcast_in_dim3A_276 : vector<2048x1xf32> to vector<2048x1xi32>
    %swap3A_285 = arith.constant 0 : index
    %swap3A_286 = arith.constant 0 : index
    %swap3A_287 = vector.load %arg3[%swap3A_285, %swap3A_286] : memref<2048x1xi32, #tpu.memory_space<vmem>>, vector<2048x1xi32>
    tpu.vector_store %arg3[%swap3A_285, %swap3A_286], %convert_element_type3A_284 {strides = array<i32>} : memref<2048x1xi32, #tpu.memory_space<vmem>>, vector<2048x1xi32>,
    %convert_element_type3A_288 = arith.fptosi %broadcast_in_dim3A_283 : vector<2048x1xf32> to vector<2048x1xi32>
    %swap3A_289 = arith.constant 0 : index
    %swap3A_290 = arith.constant 0 : index
    %swap3A_291 = vector.load %arg4[%swap3A_289, %swap3A_290] : memref<2048x1xi32, #tpu.memory_space<vmem>>, vector<2048x1xi32>
    tpu.vector_store %arg4[%swap3A_289, %swap3A_290], %convert_element_type3A_288 {strides = array<i32>} : memref<2048x1xi32, #tpu.memory_space<vmem>>, vector<2048x1xi32>,
    %add3A_292 = arith.addf %dot_general3A_266, %convert_element_type3A_259 : vector<1x128xf32>
    %iota3A_293 = tpu.iota {dimensions = array<i32: 0>} : vector<128x128xi32>
    %iota3A_294 = tpu.iota {dimensions = array<i32: 1>} : vector<128x128xi32>
    %convert_element_type3A_295 = arith.sitofp %iota3A_293 : vector<128x128xi32> to vector<128x128xf32>
    %mul3A_296 = arith.constant 1.280000e+02 : f32
    %mul3A_297 = vector.broadcast %mul3A_296 : f32 to vector<128x128xf32>
    %mul3A_298 = arith.mulf %convert_element_type3A_295, %mul3A_297 : vector<128x128xf32>
    %ge3A = vector.broadcast %add3A_292 : vector<1x128xf32> to vector<128x128xf32>
    %ge3A_299 = arith.cmpf oge, %mul3A_298, %ge3A : vector<128x128xf32>
    %lt3A_300 = arith.constant 8 : i32
    %lt3A_301 = vector.broadcast %lt3A_300 : i32 to vector<128x128xi32>
    %lt3A_302 = arith.cmpi slt, %iota3A_294, %lt3A_301 : vector<128x128xi32>
    %and3A_303 = arith.andi %ge3A_299, %lt3A_302 : vector<128x128xi1>
    %jit3A_304 = arith.constant 1 : i32
    %jit3A_305 = arith.constant 0 : i32
    %broadcast_in_dim3A_306 = vector.broadcast %jit3A_304 : i32 to vector<128x128xi32>
    %broadcast_in_dim3A_307 = vector.broadcast %jit3A_305 : i32 to vector<128x128xi32>
    %select_n3A_308 = arith.select %and3A_303, %broadcast_in_dim3A_306, %broadcast_in_dim3A_307 : vector<128x128xi1>, vector<128x128xi32>
    %reduce_sum3A_309 = arith.constant dense<0> : vector<128xi32>
    %reduce_sum3A_310 = vector.multi_reduction <add>, %select_n3A_308, %reduce_sum3A_309 [1] : vector<128x128xi32> to vector<128xi32>
    %broadcast_in_dim3A_311 = vector.shape_cast %reduce_sum3A_310 : vector<128xi32> to vector<128x1xi32>
    %min3A = arith.constant 7 : i32
    %min3A_312 = vector.broadcast %min3A : i32 to vector<128x1xi32>
    %min3A_313 = arith.minsi %broadcast_in_dim3A_311, %min3A_312 : vector<128x1xi32>
    %broadcast_in_dim3A_314 = vector.shape_cast %min3A_313 : vector<128x1xi32> to vector<128x1xi32>
    %broadcast_in_dim3A_315 = vector.broadcast %broadcast_in_dim3A_314 : vector<128x1xi32> to vector<128x128xi32>
    %swap3A_316 = arith.constant 0 : index
    %swap3A_317 = arith.constant 0 : index
    %swap3A_318 = vector.load %arg7[%swap3A_316, %swap3A_317] : memref<128x128xi32, #tpu.memory_space<vmem>>, vector<128x128xi32>
    tpu.vector_store %arg7[%swap3A_316, %swap3A_317], %broadcast_in_dim3A_315 {strides = array<i32>} : memref<128x128xi32, #tpu.memory_space<vmem>>, vector<128x128xi32>,
    return
  }
  func.func @transform_0(%arg0: i32) -> (i32, i32) {
    %c0_i32 = arith.constant 0 : i32
    %c0_i32_0 = arith.constant 0 : i32
    %c0_i32_1 = arith.constant 0 : i32
    return %c0_i32, %c0_i32_0 : i32, i32
  }
  func.func @transform_1(%arg0: i32) -> (i32, i32) {
    %c0_i32 = arith.constant 0 : i32
    %c0_i32_0 = arith.constant 0 : i32
    %c0_i32_1 = arith.constant 0 : i32
    return %c0_i32, %c0_i32_0 : i32, i32
  }
  func.func @transform_2(%arg0: i32) -> (i32, i32) {
    %c0_i32 = arith.constant 0 : i32
    %c0_i32_0 = arith.constant 0 : i32
    %c0_i32_1 = arith.constant 0 : i32
    return %c0_i32, %c0_i32_0 : i32, i32
  }
  func.func @transform_3(%arg0: i32) -> (i32, i32) {
    %c0_i32 = arith.constant 0 : i32
    %c0_i32_0 = arith.constant 0 : i32
    %c0_i32_1 = arith.constant 0 : i32
    return %c0_i32, %c0_i32_0 : i32, i32
  }
  func.func @transform_4(%arg0: i32) -> (i32, i32) {
    %c0_i32 = arith.constant 0 : i32
    %c0_i32_0 = arith.constant 0 : i32
    %c0_i32_1 = arith.constant 0 : i32
    return %c0_i32, %c0_i32_0 : i32, i32
  }
  func.func @transform_5(%arg0: i32) -> (i32, i32) {
    %c0_i32 = arith.constant 0 : i32
    %c0_i32_0 = arith.constant 0 : i32
    %c0_i32_1 = arith.constant 0 : i32
    return %c0_i32, %c0_i32_0 : i32, i32
  }
  func.func @transform_6(%arg0: i32) -> (i32, i32) {
    %c0_i32 = arith.constant 0 : i32
    %c0_i32_0 = arith.constant 0 : i32
    %c0_i32_1 = arith.constant 0 : i32
    return %c0_i32, %c0_i32_0 : i32, i32
  }
}

module attributes {stable_mosaic.version = 14 : i64} {
  func.func @_gmm_kernel(%arg0: i32, %arg1: memref<39xi32, #tpu.memory_space<smem>>, %arg2: memref<128x1024xf32, #tpu.memory_space<vmem>>, %arg3: memref<2048x1xi32, #tpu.memory_space<vmem>>, %arg4: memref<2048x1xi32, #tpu.memory_space<vmem>>, %arg5: memref<2048x1xf32, #tpu.memory_space<vmem>>, %arg6: memref<2048x1xf32, #tpu.memory_space<vmem>>, %arg7: memref<1x1024x2048xbf16, #tpu.memory_space<vmem>>, %arg8: memref<1x2048x1024xbf16, #tpu.memory_space<vmem>>, %arg9: memref<2048x1024xf32, #tpu.memory_space<vmem>>) attributes {dimension_semantics = [#tpu.dimension_semantics<arbitrary>], iteration_bounds = array<i64: 39>, scalar_prefetch = 1 : i64, scratch_operands = 0 : i64, tpu.core_type = #tpu.core_type<tc>, window_params = [{transform_indices = @transform_0, window_bounds = array<i64: 128, 1024>}, {pipeline_mode = #tpu.pipeline_mode<synchronous>, transform_indices = @transform_1, window_bounds = array<i64: 2048, 1>}, {pipeline_mode = #tpu.pipeline_mode<synchronous>, transform_indices = @transform_2, window_bounds = array<i64: 2048, 1>}, {pipeline_mode = #tpu.pipeline_mode<synchronous>, transform_indices = @transform_3, window_bounds = array<i64: 2048, 1>}, {pipeline_mode = #tpu.pipeline_mode<synchronous>, transform_indices = @transform_4, window_bounds = array<i64: 2048, 1>}, {transform_indices = @transform_5, window_bounds = array<i64: 1, 1024, 2048>}, {transform_indices = @transform_6, window_bounds = array<i64: 1, 2048, 1024>}, {pipeline_mode = #tpu.pipeline_mode<synchronous>, transform_indices = @transform_7, window_bounds = array<i64: 2048, 1024>}]} {
    %get3A = arith.constant 0 : index
    %get3A_0 = arith.constant 0 : index
    %get3A_1 = vector.load %arg2[%get3A, %get3A_0] : memref<128x1024xf32, #tpu.memory_space<vmem>>, vector<128x1024xf32>
    %convert_element_type3A = arith.truncf %get3A_1 : vector<128x1024xf32> to vector<128x1024xbf16>
    %get3A_2 = arith.constant 0 : index
    %get3A_3 = arith.constant 0 : index
    %get3A_4 = arith.constant 0 : index
    %get3A_5 = vector.load %arg7[%get3A_2, %get3A_3, %get3A_4] : memref<1x1024x2048xbf16, #tpu.memory_space<vmem>>, vector<1x1024x2048xbf16>
    %get3A_6 = vector.shape_cast %get3A_5 : vector<1x1024x2048xbf16> to vector<1024x2048xbf16>
    %dot_general3A = arith.constant dense<0.000000e+00> : vector<128x2048xf32>
    %dot_general3A_7 = tpu.matmul %convert_element_type3A, %get3A_6, %dot_general3A {dimension_numbers = #tpu.dot_dimension_numbers<[1], [0], [0], [1], [0, 0, 1, 1], [], []>, transpose_lhs_hint = false} : vector<128x1024xbf16>, vector<1024x2048xbf16>, vector<128x2048xf32> -> vector<128x2048xf32>
    %max3A = arith.constant 0.000000e+00 : f32
    %max3A_8 = vector.broadcast %max3A : f32 to vector<128x2048xf32>
    %max3A_9 = arith.maximumf %dot_general3A_7, %max3A_8 : vector<128x2048xf32>
    %convert_element_type3A_10 = arith.truncf %max3A_9 : vector<128x2048xf32> to vector<128x2048xbf16>
    %get3A_11 = arith.constant 0 : index
    %get3A_12 = arith.constant 0 : index
    %get3A_13 = arith.constant 0 : index
    %get3A_14 = vector.load %arg8[%get3A_11, %get3A_12, %get3A_13] : memref<1x2048x1024xbf16, #tpu.memory_space<vmem>>, vector<1x2048x1024xbf16>
    %get3A_15 = vector.shape_cast %get3A_14 : vector<1x2048x1024xbf16> to vector<2048x1024xbf16>
    %dot_general3A_16 = arith.constant dense<0.000000e+00> : vector<128x1024xf32>
    %dot_general3A_17 = tpu.matmul %convert_element_type3A_10, %get3A_15, %dot_general3A_16 {dimension_numbers = #tpu.dot_dimension_numbers<[1], [0], [0], [1], [0, 0, 1, 1], [], []>, transpose_lhs_hint = false} : vector<128x2048xbf16>, vector<2048x1024xbf16>, vector<128x1024xf32> -> vector<128x1024xf32>
    %abs3A = math.absf %dot_general3A_17 : vector<128x1024xf32>
    %lt3A = arith.constant 1.000000e+30 : f32
    %lt3A_18 = vector.broadcast %lt3A : f32 to vector<128x1024xf32>
    %lt3A_19 = arith.cmpf olt, %abs3A, %lt3A_18 : vector<128x1024xf32>
    %jit3A = arith.constant 0.000000e+00 : f32
    %broadcast_in_dim3A = vector.broadcast %jit3A : f32 to vector<128x1024xf32>
    %select_n3A = arith.select %lt3A_19, %dot_general3A_17, %broadcast_in_dim3A : vector<128x1024xi1>, vector<128x1024xf32>
    %convert_element_type3A_20 = arith.truncf %select_n3A : vector<128x1024xf32> to vector<128x1024xbf16>
    %get3A_21 = arith.constant 0 : index
    %get3A_22 = arith.constant 0 : index
    %get3A_23 = vector.load %arg3[%get3A_21, %get3A_22] : memref<2048x1xi32, #tpu.memory_space<vmem>>, vector<2048x1xi32>
    %mul3A = arith.constant 128 : i32
    %mul3A_24 = arith.muli %arg0, %mul3A : i32
    %sub3A = vector.broadcast %mul3A_24 : i32 to vector<2048x1xi32>
    %sub3A_25 = arith.subi %get3A_23, %sub3A : vector<2048x1xi32>
    %get3A_26 = arith.constant 0 : index
    %get3A_27 = arith.constant 0 : index
    %get3A_28 = vector.load %arg4[%get3A_26, %get3A_27] : memref<2048x1xi32, #tpu.memory_space<vmem>>, vector<2048x1xi32>
    %mul3A_29 = arith.constant 128 : i32
    %mul3A_30 = arith.muli %arg0, %mul3A_29 : i32
    %sub3A_31 = vector.broadcast %mul3A_30 : i32 to vector<2048x1xi32>
    %sub3A_32 = arith.subi %get3A_28, %sub3A_31 : vector<2048x1xi32>
    %iota3A = tpu.iota {dimensions = array<i32: 1>} : vector<2048x128xi32>
    %eq3A = vector.broadcast %sub3A_25 : vector<2048x1xi32> to vector<2048x128xi32>
    %eq3A_33 = arith.cmpi eq, %iota3A, %eq3A : vector<2048x128xi32>
    %get3A_34 = arith.constant 0 : index
    %get3A_35 = arith.constant 0 : index
    %get3A_36 = vector.load %arg5[%get3A_34, %get3A_35] : memref<2048x1xf32, #tpu.memory_space<vmem>>, vector<2048x1xf32>
    %jit3A_37 = arith.constant 0.000000e+00 : f32
    %broadcast_in_dim3A_38 = vector.shape_cast %get3A_36 : vector<2048x1xf32> to vector<2048x1xf32>
    %broadcast_in_dim3A_39 = vector.broadcast %broadcast_in_dim3A_38 : vector<2048x1xf32> to vector<2048x128xf32>
    %broadcast_in_dim3A_40 = vector.broadcast %jit3A_37 : f32 to vector<2048x128xf32>
    %select_n3A_41 = arith.select %eq3A_33, %broadcast_in_dim3A_39, %broadcast_in_dim3A_40 : vector<2048x128xi1>, vector<2048x128xf32>
    %eq3A_42 = vector.broadcast %sub3A_32 : vector<2048x1xi32> to vector<2048x128xi32>
    %eq3A_43 = arith.cmpi eq, %iota3A, %eq3A_42 : vector<2048x128xi32>
    %get3A_44 = arith.constant 0 : index
    %get3A_45 = arith.constant 0 : index
    %get3A_46 = vector.load %arg6[%get3A_44, %get3A_45] : memref<2048x1xf32, #tpu.memory_space<vmem>>, vector<2048x1xf32>
    %jit3A_47 = arith.constant 0.000000e+00 : f32
    %broadcast_in_dim3A_48 = vector.shape_cast %get3A_46 : vector<2048x1xf32> to vector<2048x1xf32>
    %broadcast_in_dim3A_49 = vector.broadcast %broadcast_in_dim3A_48 : vector<2048x1xf32> to vector<2048x128xf32>
    %broadcast_in_dim3A_50 = vector.broadcast %jit3A_47 : f32 to vector<2048x128xf32>
    %select_n3A_51 = arith.select %eq3A_43, %broadcast_in_dim3A_49, %broadcast_in_dim3A_50 : vector<2048x128xi1>, vector<2048x128xf32>
    %add3A = arith.addf %select_n3A_41, %select_n3A_51 : vector<2048x128xf32>
    %convert_element_type3A_52 = arith.truncf %add3A : vector<2048x128xf32> to vector<2048x128xbf16>
    %dot_general3A_53 = arith.constant dense<0.000000e+00> : vector<2048x1024xf32>
    %dot_general3A_54 = tpu.matmul %convert_element_type3A_52, %convert_element_type3A_20, %dot_general3A_53 {dimension_numbers = #tpu.dot_dimension_numbers<[1], [0], [0], [1], [0, 0, 1, 1], [], []>, transpose_lhs_hint = false} : vector<2048x128xbf16>, vector<128x1024xbf16>, vector<2048x1024xf32> -> vector<2048x1024xf32>
    %eq3A_55 = arith.constant 0 : i32
    %eq3A_56 = arith.cmpi eq, %arg0, %eq3A_55 : i32
    %convert_element_type3A_57 = arith.extui %eq3A_56 : i1 to i32
    %cond3A = arith.constant 0 : i32
    %cond3A_58 = arith.cmpi ne, %convert_element_type3A_57, %cond3A : i32
    scf.if %cond3A_58 {
      %swap3A = arith.constant 0 : index
      %swap3A_63 = arith.constant 0 : index
      %swap3A_64 = vector.load %arg9[%swap3A, %swap3A_63] : memref<2048x1024xf32, #tpu.memory_space<vmem>>, vector<2048x1024xf32>
      tpu.vector_store %arg9[%swap3A, %swap3A_63], %dot_general3A_54 {strides = array<i32>} : memref<2048x1024xf32, #tpu.memory_space<vmem>>, vector<2048x1024xf32>,
    } else {
    }
    %ne3A = arith.constant 0 : i32
    %ne3A_59 = arith.cmpi ne, %arg0, %ne3A : i32
    %convert_element_type3A_60 = arith.extui %ne3A_59 : i1 to i32
    %cond3A_61 = arith.constant 0 : i32
    %cond3A_62 = arith.cmpi ne, %convert_element_type3A_60, %cond3A_61 : i32
    scf.if %cond3A_62 {
      %get3A_63 = arith.constant 0 : index
      %get3A_64 = arith.constant 0 : index
      %get3A_65 = vector.load %arg9[%get3A_63, %get3A_64] : memref<2048x1024xf32, #tpu.memory_space<vmem>>, vector<2048x1024xf32>
      %add3A_66 = arith.addf %get3A_65, %dot_general3A_54 : vector<2048x1024xf32>
      %swap3A = arith.constant 0 : index
      %swap3A_67 = arith.constant 0 : index
      %swap3A_68 = vector.load %arg9[%swap3A, %swap3A_67] : memref<2048x1024xf32, #tpu.memory_space<vmem>>, vector<2048x1024xf32>
      tpu.vector_store %arg9[%swap3A, %swap3A_67], %add3A_66 {strides = array<i32>} : memref<2048x1024xf32, #tpu.memory_space<vmem>>, vector<2048x1024xf32>,
    } else {
    }
    return
  }
  func.func @transform_0(%arg0: i32, %arg1: memref<39xi32, #tpu.memory_space<smem>>) -> (i32, i32) {
    %c0_i32 = arith.constant 0 : i32
    %c0_i32_0 = arith.constant 0 : i32
    return %arg0, %c0_i32 : i32, i32
  }
  func.func @transform_1(%arg0: i32, %arg1: memref<39xi32, #tpu.memory_space<smem>>) -> (i32, i32) {
    %c0_i32 = arith.constant 0 : i32
    %c0_i32_0 = arith.constant 0 : i32
    %c0_i32_1 = arith.constant 0 : i32
    return %c0_i32, %c0_i32_0 : i32, i32
  }
  func.func @transform_2(%arg0: i32, %arg1: memref<39xi32, #tpu.memory_space<smem>>) -> (i32, i32) {
    %c0_i32 = arith.constant 0 : i32
    %c0_i32_0 = arith.constant 0 : i32
    %c0_i32_1 = arith.constant 0 : i32
    return %c0_i32, %c0_i32_0 : i32, i32
  }
  func.func @transform_3(%arg0: i32, %arg1: memref<39xi32, #tpu.memory_space<smem>>) -> (i32, i32) {
    %c0_i32 = arith.constant 0 : i32
    %c0_i32_0 = arith.constant 0 : i32
    %c0_i32_1 = arith.constant 0 : i32
    return %c0_i32, %c0_i32_0 : i32, i32
  }
  func.func @transform_4(%arg0: i32, %arg1: memref<39xi32, #tpu.memory_space<smem>>) -> (i32, i32) {
    %c0_i32 = arith.constant 0 : i32
    %c0_i32_0 = arith.constant 0 : i32
    %c0_i32_1 = arith.constant 0 : i32
    return %c0_i32, %c0_i32_0 : i32, i32
  }
  func.func @transform_5(%arg0: i32, %arg1: memref<39xi32, #tpu.memory_space<smem>>) -> (i32, i32, i32) {
    %get3A = arith.index_cast %arg0 : i32 to index
    %get3A_0 = memref.load %arg1[%get3A] : memref<39xi32, #tpu.memory_space<smem>>
    %c0_i32 = arith.constant 0 : i32
    %c0_i32_1 = arith.constant 0 : i32
    %c0_i32_2 = arith.constant 0 : i32
    return %get3A_0, %c0_i32, %c0_i32_1 : i32, i32, i32
  }
  func.func @transform_6(%arg0: i32, %arg1: memref<39xi32, #tpu.memory_space<smem>>) -> (i32, i32, i32) {
    %get3A = arith.index_cast %arg0 : i32 to index
    %get3A_0 = memref.load %arg1[%get3A] : memref<39xi32, #tpu.memory_space<smem>>
    %c0_i32 = arith.constant 0 : i32
    %c0_i32_1 = arith.constant 0 : i32
    %c0_i32_2 = arith.constant 0 : i32
    return %get3A_0, %c0_i32, %c0_i32_1 : i32, i32, i32
  }
  func.func @transform_7(%arg0: i32, %arg1: memref<39xi32, #tpu.memory_space<smem>>) -> (i32, i32) {
    %c0_i32 = arith.constant 0 : i32
    %c0_i32_0 = arith.constant 0 : i32
    %c0_i32_1 = arith.constant 0 : i32
    return %c0_i32, %c0_i32_0 : i32, i32
  }
}

module attributes {stable_mosaic.version = 14 : i64} {
  func.func @_final_kernel(%arg0: i32, %arg1: memref<1024x1024xf32, #tpu.memory_space<vmem>>, %arg2: memref<1024x2048xbf16, #tpu.memory_space<vmem>>, %arg3: memref<2048x1024xbf16, #tpu.memory_space<vmem>>, %arg4: memref<1024x1024xf32, #tpu.memory_space<vmem>>, %arg5: memref<1024x1024xf32, #tpu.memory_space<vmem>>) attributes {dimension_semantics = [#tpu.dimension_semantics<arbitrary>], iteration_bounds = array<i64: 2>, scalar_prefetch = 0 : i64, scratch_operands = 0 : i64, tpu.core_type = #tpu.core_type<tc>, window_params = [{transform_indices = @transform_0, window_bounds = array<i64: 1024, 1024>}, {pipeline_mode = #tpu.pipeline_mode<synchronous>, transform_indices = @transform_1, window_bounds = array<i64: 1024, 2048>}, {pipeline_mode = #tpu.pipeline_mode<synchronous>, transform_indices = @transform_2, window_bounds = array<i64: 2048, 1024>}, {transform_indices = @transform_3, window_bounds = array<i64: 1024, 1024>}, {transform_indices = @transform_4, window_bounds = array<i64: 1024, 1024>}]} {
    %get3A = arith.constant 0 : index
    %get3A_0 = arith.constant 0 : index
    %get3A_1 = vector.load %arg1[%get3A, %get3A_0] : memref<1024x1024xf32, #tpu.memory_space<vmem>>, vector<1024x1024xf32>
    %convert_element_type3A = arith.truncf %get3A_1 : vector<1024x1024xf32> to vector<1024x1024xbf16>
    %get3A_2 = arith.constant 0 : index
    %get3A_3 = arith.constant 0 : index
    %get3A_4 = vector.load %arg2[%get3A_2, %get3A_3] : memref<1024x2048xbf16, #tpu.memory_space<vmem>>, vector<1024x2048xbf16>
    %dot_general3A = arith.constant dense<0.000000e+00> : vector<1024x2048xf32>
    %dot_general3A_5 = tpu.matmul %convert_element_type3A, %get3A_4, %dot_general3A {dimension_numbers = #tpu.dot_dimension_numbers<[1], [0], [0], [1], [0, 0, 1, 1], [], []>, transpose_lhs_hint = false} : vector<1024x1024xbf16>, vector<1024x2048xbf16>, vector<1024x2048xf32> -> vector<1024x2048xf32>
    %max3A = arith.constant 0.000000e+00 : f32
    %max3A_6 = vector.broadcast %max3A : f32 to vector<1024x2048xf32>
    %max3A_7 = arith.maximumf %dot_general3A_5, %max3A_6 : vector<1024x2048xf32>
    %convert_element_type3A_8 = arith.truncf %max3A_7 : vector<1024x2048xf32> to vector<1024x2048xbf16>
    %get3A_9 = arith.constant 0 : index
    %get3A_10 = arith.constant 0 : index
    %get3A_11 = vector.load %arg3[%get3A_9, %get3A_10] : memref<2048x1024xbf16, #tpu.memory_space<vmem>>, vector<2048x1024xbf16>
    %dot_general3A_12 = arith.constant dense<0.000000e+00> : vector<1024x1024xf32>
    %dot_general3A_13 = tpu.matmul %convert_element_type3A_8, %get3A_11, %dot_general3A_12 {dimension_numbers = #tpu.dot_dimension_numbers<[1], [0], [0], [1], [0, 0, 1, 1], [], []>, transpose_lhs_hint = false} : vector<1024x2048xbf16>, vector<2048x1024xbf16>, vector<1024x1024xf32> -> vector<1024x1024xf32>
    %mul3A = arith.constant 5.000000e-01 : f32
    %mul3A_14 = vector.broadcast %mul3A : f32 to vector<1024x1024xf32>
    %mul3A_15 = arith.mulf %mul3A_14, %dot_general3A_13 : vector<1024x1024xf32>
    %get3A_16 = arith.constant 0 : index
    %get3A_17 = arith.constant 0 : index
    %get3A_18 = vector.load %arg4[%get3A_16, %get3A_17] : memref<1024x1024xf32, #tpu.memory_space<vmem>>, vector<1024x1024xf32>
    %add3A = arith.addf %mul3A_15, %get3A_18 : vector<1024x1024xf32>
    %swap3A = arith.constant 0 : index
    %swap3A_19 = arith.constant 0 : index
    %swap3A_20 = vector.load %arg5[%swap3A, %swap3A_19] : memref<1024x1024xf32, #tpu.memory_space<vmem>>, vector<1024x1024xf32>
    tpu.vector_store %arg5[%swap3A, %swap3A_19], %add3A {strides = array<i32>} : memref<1024x1024xf32, #tpu.memory_space<vmem>>, vector<1024x1024xf32>,
    return
  }
  func.func @transform_0(%arg0: i32) -> (i32, i32) {
    %c0_i32 = arith.constant 0 : i32
    %c0_i32_0 = arith.constant 0 : i32
    return %arg0, %c0_i32 : i32, i32
  }
  func.func @transform_1(%arg0: i32) -> (i32, i32) {
    %c0_i32 = arith.constant 0 : i32
    %c0_i32_0 = arith.constant 0 : i32
    %c0_i32_1 = arith.constant 0 : i32
    return %c0_i32, %c0_i32_0 : i32, i32
  }
  func.func @transform_2(%arg0: i32) -> (i32, i32) {
    %c0_i32 = arith.constant 0 : i32
    %c0_i32_0 = arith.constant 0 : i32
    %c0_i32_1 = arith.constant 0 : i32
    return %c0_i32, %c0_i32_0 : i32, i32
  }
  func.func @transform_3(%arg0: i32) -> (i32, i32) {
    %c0_i32 = arith.constant 0 : i32
    %c0_i32_0 = arith.constant 0 : i32
    return %arg0, %c0_i32 : i32, i32
  }
  func.func @transform_4(%arg0: i32) -> (i32, i32) {
    %c0_i32 = arith.constant 0 : i32
    %c0_i32_0 = arith.constant 0 : i32
    return %arg0, %c0_i32 : i32, i32
  }
}

</mosaic_0001>

<sc_bundles>
// kernel: kernel.6.cloned.1.call-start
scs
__scs_entry_jumppad:
0x0: {  	(pc) =	sbr.rel $0x88, $3  }
0x1: {  	(tag) =	ssettag $0x0;
	lr =	simm.s32 $0x1  }
0x2: {  	[smem:$0x3F9B] =	sst lr;
	_ =	strace $0xD0000000  }
0x3: {  	_ = 	snop  }
0x4: {  	_ = 	snop  }
0x5: {  	_ = 	snop  }
0x6: {  	_ = 	snop  }
0x7: {  	_ = 	snop  }
__scs_overlays_trampoline_lowered:
0x8: {  	[smem:$0x3FAA] =	sst s0  }
0x9: {  	[smem:$0x3FAB] =	sst s1  }
0xa: {  	[smem:$0x3FAC] =	sst s2  }
0xb: {  	[smem:$0x3FAD] =	sst s3  }
0xc: {  	[smem:$0x3FAE] =	sst s4  }
0xd: {  	[smem:$0x3FAF] =	sst s5  }
0xe: {  	[smem:$0x3FB0] =	sst s6  }
0xf: {  	[smem:$0x3FB1] =	sst s7  }
0x10: {  	[smem:$0x3FB2] =	sst s8  }
0x11: {  	[smem:$0x3FB3] =	sst s9;
	s0 =	simm.s32 @!p0 $0x0  }
0x12: {  	s1 =	sld [smem:$0x3F99];
	s0 =	simm.s32 @p0 $0x1  }
0x13: {  	[smem:$0x3FB4] =	sst s0;
	s0 =	simm.s32 @!p1 $0x0  }
0x14: {  	s2 =	sld [smem:$0x3F98];
	s0 =	simm.s32 @p1 $0x1  }
0x15: {  	[smem:$0x3FB5] =	sst s0;
	s0 =	simm.s32 @!p2 $0x0  }
0x16: {  	s3 =	sld [smem:$0x3FDB];
	s0 =	simm.s32 @p2 $0x1  }
0x17: {  	s4 =	simm.s32 $0x1BF5;
	[smem:$0x3FB7] =	sst s0  }
0x18: {  	s0 =	sld [smem:$0x3F9A];
	_ =	swait.ge [sflag:s4], $0x0  }
0x19: {  	s7 =	sld [smem:$0x3F9B]  }
0x1a: {  	s8 =	sadd.s32 $0xFFFFE003, lr  }
0x1b: {  	s9 =	sadd.s32 $0xFFFFFEF7, lr;
	s5 =	simm.s32 $0xFFFFFFFF;
	p2 =	slt.u32 s8, $0xFFFFF086  }
0x1c: {  	p1 =	slt.u32 s9, $0xF7A;
	s5 =	simm.s32 @!p2 $0x0  }
0x1d: {  	s5 =	simm.s32 @p1 $0x1;
	p0 =	seq.s32 s7, s2  }
0x1e: {  	s7 =	smul.u32 @!p0 $0xF7A, s2;
	p2 =	seq.s32 @!p0 s5, $0x0  }
0x1f: {  	s9 =	smul.u32 $0xF7A, s1;
	s8 =	simm.s32 @!p0 $0x1BF5;
	p2 =	por !p2, p0  }
0x20: {  	[sflag:s8] =	ssyncset.s32 @!p0 $0xFFFFF086;
	s6 =	sadd.s32 @!p0 s3, s7;
	s7 =	simm.s32 @!p0 $0x108  }
0x21: {  	s3 =	sadd.s32 s3, s9;
	s6 =	sadd.s32 @!p0 $0x88, s6;
	s7 =	simm.s32 @p2 $0x1082  }
0x22: {  	[simem:s7], [sflag:s8] =	dma.local @!p0 [hbm:s6], $0xF7A  }
0x23: {  	s9 =	sor.u32 $0xD0000000, s2;
	s6 =	simm.s32 $0x108;
	_ =	swait.ge @!p0 [sflag:s8], $0x0  }
0x24: {  	s3 =	sadd.s32 $0x88, s3;
	s6 =	simm.s32 @!p1 $0x1082;
	[sflag:s4] =	ssyncset.s32 $0xFFFFF086  }
0x25: {  	[simem:s6], [sflag:s4] =	dma.local [hbm:s3], $0xF7A  }
0x26: {  	[smem:$0x3F9B] =	sst s1;
	(tag) =	ssettag s2;
	_ =	strace s9  }
0x27: {  	s1 =	sld [smem:$0x3FAB]  }
0x28: {  	s2 =	sld [smem:$0x3FAC]  }
0x29: {  	s4 =	sld [smem:$0x3FAE]  }
0x2a: {  	p0 =	seq.s32 s5, $0x0;
	s5 =	sld [smem:$0x3FAF]  }
0x2b: {  	s6 =	sld [smem:$0x3FB0]  }
0x2c: {  	s7 =	sld [smem:$0x3FB1]  }
0x2d: {  	s3 =	simm.s32 $0x108;
	s8 =	sld [smem:$0x3FB2]  }
0x2e: {  	s3 =	simm.s32 @!p0 $0x1082;
	s9 =	sld [smem:$0x3FB3]  }
0x2f: {  	lr =	sadd.s32 s0, s3;
	s0 =	sld [smem:$0x3FAA]  }
0x30: {  	s3 =	sld [smem:$0x3FAD]  }
0x31: {  	[smem:$0x3FB6] =	sst s10  }
0x32: {  	s10 =	sld [smem:$0x3FB4];
	_ =	sdelay $0x3  }
0x33: {  	p0 =	seq.s32 s10, $0x1;
	s10 =	sld [smem:$0x3FB6];
	_ =	sdelay $0x3  }
0x34: {  	[smem:$0x3FB6] =	sst s10  }
0x35: {  	s10 =	sld [smem:$0x3FB5];
	_ =	sdelay $0x3  }
0x36: {  	p1 =	seq.s32 s10, $0x1;
	s10 =	sld [smem:$0x3FB6];
	_ =	sdelay $0x3  }
0x37: {  	[smem:$0x3FB6] =	sst s10  }
0x38: {  	s10 =	sld [smem:$0x3FB7]  }
0x39: {  	_ = 	snop;
	(pc) =	sbr.ind lr, $3  }
0x3a: {  	_ = 	snop  }
0x3b: {  	_ = 	snop  }
0x3c: {  	p2 =	seq.s32 s10, $0x1;
	s10 =	sld [smem:$0x3FB6]  }
0x3d: {  	_ =	shalt  }
0x3e: {  	_ =	shalt  }
0x3f: {  	_ =	shalt  }
0x40: {  	_ =	shalt  }
0x41: {  	_ =	shalt  }
0x42: {  	_ =	shalt  }
0x43: {  	_ =	shalt  }
0x44: {  	_ =	shalt  }
0x45: {  	_ =	shalt  }
0x46: {  	_ =	shalt  }
0x47: {  	_ =	shalt  }
0x48: {  	_ =	shalt  }
0x49: {  	_ =	shalt  }
0x4a: {  	_ =	shalt  }
0x4b: {  	_ =	shalt  }
0x4c: {  	_ =	shalt  }
0x4d: {  	_ =	shalt  }
0x4e: {  	_ =	shalt  }
0x4f: {  	_ =	shalt  }
0x50: {  	_ =	shalt  }
0x51: {  	_ =	shalt  }
0x52: {  	_ =	shalt  }
0x53: {  	_ =	shalt  }
0x54: {  	_ =	shalt  }
0x55: {  	_ =	shalt  }
0x56: {  	_ =	shalt  }
0x57: {  	_ =	shalt  }
0x58: {  	_ =	shalt  }
0x59: {  	_ =	shalt  }
0x5a: {  	_ =	shalt  }
0x5b: {  	_ =	shalt  }
0x5c: {  	_ =	shalt  }
0x5d: {  	_ =	shalt  }
0x5e: {  	_ =	shalt  }
0x5f: {  	_ =	shalt  }
0x60: {  	_ =	shalt  }
0x61: {  	_ =	shalt  }
0x62: {  	_ =	shalt  }
0x63: {  	_ =	shalt  }
0x64: {  	_ =	shalt  }
0x65: {  	_ =	shalt  }
0x66: {  	_ =	shalt  }
0x67: {  	_ =	shalt  }
0x68: {  	_ =	shalt  }
0x69: {  	_ =	shalt  }
0x6a: {  	_ =	shalt  }
0x6b: {  	_ =	shalt  }
0x6c: {  	_ =	shalt  }
0x6d: {  	_ =	shalt  }
0x6e: {  	_ =	shalt  }
0x6f: {  	_ =	shalt  }
0x70: {  	_ =	shalt  }
0x71: {  	_ =	shalt  }
0x72: {  	_ =	shalt  }
0x73: {  	_ =	shalt  }
0x74: {  	_ =	shalt  }
0x75: {  	_ =	shalt  }
0x76: {  	_ =	shalt  }
0x77: {  	_ =	shalt  }
0x78: {  	_ =	shalt  }
0x79: {  	_ =	shalt  }
0x7a: {  	_ =	shalt  }
0x7b: {  	_ =	shalt  }
0x7c: {  	_ =	shalt  }
0x7d: {  	_ =	shalt  }
0x7e: {  	_ =	shalt  }
0x7f: {  	_ =	shalt  }
0x80: {  	_ =	shalt  }
0x81: {  	_ =	shalt  }
0x82: {  	_ =	shalt  }
0x83: {  	_ =	shalt  }
0x84: {  	_ =	shalt  }
0x85: {  	_ =	shalt  }
0x86: {  	_ =	shalt  }
0x87: {  	_ =	shalt  }
.Lfunc_end0:
.L_simem_size_0:
called_computation_lowered:
.L_overlay_start_0:
0x88: {  	s2 =	sld [smem:$0x3FD9]  }
0x89: {  	s3 =	sld [smem:$0x3FFE];
	_ =	sdelay $0x1  }
0x8a: {  	s1 =	srdreg.scid  }
0x8b: {  	s0 =	sand.u32 $0x1, s1  }
0x8c: {  	s17 =	sshll.u32 s0, $0xA;
	s2 =	sadd.s32 s3, s2  }
0x8d: {  	s2 =	sadd.s32 s2, s17  }
0x8e: {  	[smem:$0x3FC2] =	sst s2  }
0x8f: {  	_ = 	snop  }
0x90: {  	s2 =	sld [smem:$0x3FD0];
	(tm) =	ssettm $0x1  }
0x91: {  	s18 =	sld [smem:$0x3FFB];
	_ =	sdelay $0x3  }
0x92: {  	_ =	strace s18  }
0x93: {  	s3 =	sld [smem:$0x3FFC];
	_ =	sdelay $0x3  }
0x94: {  	_ =	strace s3  }
0x95: {  	s3 =	sld [smem:$0x3FFD];
	_ =	sdelay $0x3  }
0x96: {  	_ =	strace s3  }
0x97: {  	_ =	strace $0x8FFFFFFF  }
0x98: {  	s19 =	sld [smem:$0x3FDB];
	_ =	sdelay $0x1  }
0x99: {  	s4 =	simm.s32 $_scs_section_size  }
0x9a: {  	s5 =	simm.s32 $_size__tile_overlayer_lowered;
	s6 =	simm.s32 $_tile_overlayer_lowered  }
0x9b: {  	s22 =	simm.s32 $0x1BFF;
	s21 =	sshll.u32 s6, $0x1;
	s3 =	sadd.s32 s4, s19  }
0x9c: {  	s7 =	simm.s32 $0x0;
	s20 =	sshll.u32 s5, $0x1;
	s5 =	sadd.s32 s21, s3  }
0x9d: {  	[timem:s7], [sflag:s22] =	dma.local [hbm:s5], s20  }
0x9e: {  	_ =	swait.ge [sflag:s22], s20  }
0x9f: {  	s4 =	ssub.s32 $0x0, s20;
	[sflag:s22] =	ssyncset.done $0x0  }
0xa0: {  	[sflag:s22] =	ssyncadd.s32 s4;
	_ =	sdelay $0x1  }
0xa1: {  	s23 =	simm.s32 $0x1B8B  }
0xa2: {  	_ =	swait.ge [sflag:s23], $0x1  }
0xa3: {  	[sflag:s23] =	ssyncset.done $0x0  }
0xa4: {  	s25 =	simm.s32 $0x1B8E;
	s24 =	sld [smem:$0x3FFE];
	[sflag:s23] =	ssyncadd.s32 $0xFFFFFFFF  }
0xa5: {  	s26 =	simm.s32 $execute0_lowered;
	[smem:$0x3FD2] =	sst s25  }
0xa6: {  	s5 =	sshll.u32 s26, $0x1;
	_ =	strace $0x80000046;
	[dreg:$0x1] =	wrdreg $0xFFFFFFFF  }
0xa7: {  	s28 =	simm.s32 $_size_execute0_lowered;
	s3 =	sadd.s32 s3, s5;
	[dreg:$0x0] =	wrdreg $0x0  }
0xa8: {  	s5 =	sshll.u32 s28, $0x1;
	[dreg:$0x2] =	wrdreg s3  }
0xa9: {  	[dreg:$0x3] =	wrdreg s5  }
0xaa: {  	[dreg:$0x4] =	wrdreg $0xC0  }
0xab: {  	_ =	task [dreg:s7], $0x5FFFF  }
0xac: {  	[dreg:$0x1] =	wrdreg $0xFFFFFFFF  }
0xad: {  	[dreg:$0x0] =	wrdreg $0x60  }
0xae: {  	[dreg:$0x2] =	wrdreg s2  }
0xaf: {  	[dreg:$0x3] =	wrdreg s24  }
0xb0: {  	[dreg:$0x4] =	wrdreg $0x9  }
0xb1: {  	_ =	task.clear_ibuf [dreg:s7], $0x5FFFF;
	_ =	strace $0x90000046  }
0xb2: {  	s29 =	simm.s32 $0x9;
	_ =	strace $0x80000048  }
0xb3: {  	_ =	swait.ge [sflag:s29], $0x1  }
0xb4: {  	[sflag:s29] =	ssyncadd.s32 $0xFFFFFFFF  }
0xb5: {  	_ =	strace $0x90000048  }
0xb6: {  	_ =	sfence  }
0xb7: {  	s30 =	sld [smem:$0x0];
	_ =	sdelay $0x2  }
0xb8: {  	s31 =	sshll.u32 s1, $0xD;
	s1 =	sshrl.u32 s1, $0x2  }
0xb9: {  	s3 =	sand.u32 $0x4000, s31;
	s1 =	sadd.s32 s1, s30  }
0xba: {  	s0 =	sor.u32 s3, s0;
	s1 =	sshll.u32 s1, $0x11  }
0xbb: {  	s0 =	sor.u32 s1, s0  }
0xbc: {  	s0 =	sadd.s32 $0x8F2B, s0  }
0xbd: {  	[sflag:s0] =	ssyncadd.remote.s32 $0x1  }
0xbe: {  	_ =	sfence.sel $0xFFFF  }
0xbf: {  	[dreg:$0x0] =	wrdreg $0xFFFFFFFF;
	(pc) =	sbr.abs _section_cstart, $3  }
0xc0: {  	[dreg:$0x1] =	wrdreg $0xFFFFFFFF  }
0xc1: {  	_ =	task.clear_ibuf [dreg:s7], $0x2FFFF;
	_ =	strace $0x9FFFFFFF  }
0xc2: {  	(tm) =	ssettm $0x7FFFFFFF  }
0xc3: {  	_ =	shalt  }
tec
execute0_lowered:
.L_overlay_start_1:
0x0: {  	(tag) =	ssettag $0x1  }
0x1: {  	s0 =	srdreg.scid  }
0x2: {  	s2 =	stileid.u32;
	s1 =	rddreg [dreg:$0x0]  }
0x3: {  	s6 =	rddreg [dreg:$0x1];
	s25 =	simm.s32 $0x10000;
	s26 =	simm.s32 $0x10080  }
0x4: {  	s8 =	simm.s32 $0x3;
	s20 =	simm.s32 $0x1800;
	s21 =	simm.s32 $0x2000  }
0x5: {  	s22 =	simm.s32 $0x2800;
	s23 =	simm.s32 $0x3000;
	s28 =	simm.s32 $0x5000  }
0x6: {  	s29 =	simm.s32 $0x5800;
	s30 =	simm.s32 $0x6000;
	s31 =	simm.s32 $0x6800  }
0x7: {  	s9 =	simm.s32 $0x8000;
	s10 =	simm.s32 $0x8800;
	s11 =	simm.s32 $0x9000  }
0x8: {  	s12 =	simm.s32 $0x9800;
	s13 =	simm.s32 $0xA000;
	s14 =	simm.s32 $0xA800  }
0x9: {  	s15 =	simm.s32 $0xB000;
	s16 =	simm.s32 $0xB800;
	s0 =	sand.u32 $0x1, s0  }
0xa: {  	s17 =	simm.s32 $0xC000;
	s2 =	sshll.u32 s2, $0x7;
	s3 =	sshll.u32 s0, $0x6  }
0xb: {  	s0 =	ssub.s32 $0x2, s0;
	s3 =	sor.u32 s3, s2;
	s2 =	simm.s32 $0x0  }
0xc: {  	s24 =	sshrl.u32 s0, $0x1;
	s4 =	sshrl.u32 s3, $0x3;
	[smem:$0x7FF] =	sst s2  }
0xd: {  	s3 =	sshll.u32 s3, $0x7;
	s0 =	ssub.s32 s0, s24;
	s24 =	simm.s32 $0x3800  }
0xe: {  	s4 =	sadd.s32 s4, s6;
	_ =	strace $0x80000047;
	[dreg:$0x6] =	wrdreg s25  }
0xf: {  	s1 =	sadd.s32 s1, s3;
	s3 =	sadd.s32 $0xA00, s6;
	[dreg:$0x7] =	wrdreg s26  }
0x10: {  	s7 =	smax.u32 s0, $0x1;
	s5 =	sadd.s32 $0x600, s4;
	[dreg:$0x5] =	wrdreg s1  }
0x11: {  	v2 =	vlaneseq.u32;
	s25 =	simm.s32 $0x4000;
	s4 =	sadd.s32 $0x800, s4;
	[dreg:$0x3] =	wrdreg s5  }
0x12: {  	vm0 =	vmmov $0xffff;
	v1 =	vshrl.u32 v2, $0x3;
	s26 =	simm.s32 $0x4800;
	s1 =	simm.s32 $0x7000;
	[dreg:$0x4] =	wrdreg s4  }
0x13: {  	v0 =	vand.u32 $0x7, v2;
	v2 =	vor.u32 $0x8, v2;
	v1 =	vmul.u32 $0x8, v1;
	s4 =	sadd.s32 $0xB00, s6;
	s5 =	sadd.s32 $0xC00, s6;
	s6 =	sadd.s32 $0xD00, s6  }
.LBB2_1:
0x14: {  	s18 =	rddreg [dreg:$0x3]  }
0x15: {  	s19 =	rddreg [dreg:$0x6]  }
0x16: {  	[tilespmem:s19], [sflag:$0x3] =	stream.linear.gather [hbm4b:s18+s2], $0x40, $0x38;
	[tilespmem:$0x10100] =	vst v63  }
0x17: {  	_ =	swait.ge [sflag:s8], $0x40  }
0x18: {  	s19 =	rddreg [dreg:$0x4];
	[sflag:s8] =	ssyncset.done $0x0  }
0x19: {  	s0 =	rddreg [dreg:$0x7];
	[sflag:s8] =	ssyncadd.s32 $0xFFFFFFC0  }
0x1a: {  	[tilespmem:s0], [sflag:$0x3] =	stream.linear.gather [hbm4b:s19+s2], $0x40, $0x38;
	[tilespmem:$0x10100] =	vst v63  }
0x1b: {  	_ =	swait.ge [sflag:s8], $0x40  }
0x1c: {  	[sflag:s8] =	ssyncset.done $0x0  }
0x1d: {  	s0 =	rddreg [dreg:$0x5];
	[sflag:s8] =	ssyncadd.s32 $0xFFFFFFC0  }
0x1e: {  	[tilespmem:s2], [sflag:$0x3] =	stream.linear.gather [hbm4b:s0+s2], $0x10000, $0x38;
	[tilespmem:$0x10100] =	vst v63  }
0x1f: {  	_ =	swait.ge [sflag:s8], $0x10000  }
0x20: {  	[sflag:s8] =	ssyncset.done $0x0  }
0x21: {  	[sflag:s8] =	ssyncadd.s32 $0xFFFF0000  }
0x22: {  	v3 =	vld [tilespmem:$0x10000];
	_ =	sdelay $0x4  }
0x23: {  	v4 =	vshll.u32 v3, $0x3  }
0x24: {  	v3 =	vand.u32 $0x7, v3;
	v4 =	vand.u32 $0xFFFFFFC0, v4  }
0x25: {  	v3 =	vor.u32 v3, v4  }
0x26: {  	v4 =	vperm.xlane v3, v0;
	_ =	sdelay $0x1  }
0x27: {  	v4 =	vadd.s32 v1, v4;
	_ =	sdelay $0x4  }
0x28: {  	[hbm4b:s3+s2] =	stream.indirect_vreg.scatter [tilespmem:s2], [sflag:$0x1], $0x80, v4, vm0, $0xb8;
	[tilespmem:$0x10100] =	vst v63  }
0x29: {  	s18 =	simm.s32 $0x800;
	v3 =	vperm.xlane v3, v2  }
0x2a: {  	[hbm4b:s4+s2] =	stream.indirect_vreg.scatter [tilespmem:s18], [sflag:$0x1], $0x80, v4, vm0, $0xb8;
	[tilespmem:$0x10100] =	vst v63  }
0x2b: {  	s19 =	simm.s32 $0x1000;
	v3 =	vadd.s32 v1, v3  }
0x2c: {  	[hbm4b:s5+s2] =	stream.indirect_vreg.scatter [tilespmem:s19], [sflag:$0x1], $0x80, v4, vm0, $0xb8;
	[tilespmem:$0x10100] =	vst v63  }
0x2d: {  	_ = 	snop  }
0x2e: {  	[hbm4b:s6+s2] =	stream.indirect_vreg.scatter [tilespmem:s20], [sflag:$0x1], $0x80, v4, vm0, $0xb8;
	[tilespmem:$0x10100] =	vst v63  }
0x2f: {  	_ = 	snop  }
0x30: {  	[hbm4b:s3+s2] =	stream.indirect_vreg.scatter [tilespmem:s21], [sflag:$0x1], $0x80, v3, vm0, $0xb8;
	[tilespmem:$0x10100] =	vst v63  }
0x31: {  	_ = 	snop  }
0x32: {  	[hbm4b:s4+s2] =	stream.indirect_vreg.scatter [tilespmem:s22], [sflag:$0x1], $0x80, v3, vm0, $0xb8;
	[tilespmem:$0x10100] =	vst v63  }
0x33: {  	_ = 	snop  }
0x34: {  	[hbm4b:s5+s2] =	stream.indirect_vreg.scatter [tilespmem:s23], [sflag:$0x1], $0x80, v3, vm0, $0xb8;
	[tilespmem:$0x10100] =	vst v63  }
0x35: {  	_ = 	snop  }
0x36: {  	[hbm4b:s6+s2] =	stream.indirect_vreg.scatter [tilespmem:s24], [sflag:$0x1], $0x80, v3, vm0, $0xb8;
	[tilespmem:$0x10100] =	vst v63  }
0x37: {  	v3 =	vld [tilespmem:$0x10010];
	_ =	sdelay $0x4  }
0x38: {  	v57 =	vshll.u32 v3, $0x3  }
0x39: {  	v3 =	vand.u32 $0x7, v3;
	v4 =	vand.u32 $0xFFFFFFC0, v57  }
0x3a: {  	v3 =	vor.u32 v3, v4  }
0x3b: {  	v4 =	vperm.xlane v3, v0;
	_ =	sdelay $0x1  }
0x3c: {  	v4 =	vadd.s32 v1, v4;
	_ =	sdelay $0x4  }
0x3d: {  	[hbm4b:s3+s2] =	stream.indirect_vreg.scatter [tilespmem:s25], [sflag:$0x1], $0x80, v4, vm0, $0xb8;
	[tilespmem:$0x10100] =	vst v63  }
0x3e: {  	v3 =	vperm.xlane v3, v2  }
0x3f: {  	[hbm4b:s4+s2] =	stream.indirect_vreg.scatter [tilespmem:s26], [sflag:$0x1], $0x80, v4, vm0, $0xb8;
	[tilespmem:$0x10100] =	vst v63  }
0x40: {  	v3 =	vadd.s32 v1, v3  }
0x41: {  	[hbm4b:s5+s2] =	stream.indirect_vreg.scatter [tilespmem:s28], [sflag:$0x1], $0x80, v4, vm0, $0xb8;
	[tilespmem:$0x10100] =	vst v63  }
0x42: {  	_ = 	snop  }
0x43: {  	[hbm4b:s6+s2] =	stream.indirect_vreg.scatter [tilespmem:s29], [sflag:$0x1], $0x80, v4, vm0, $0xb8;
	[tilespmem:$0x10100] =	vst v63  }
0x44: {  	_ = 	snop  }
0x45: {  	[hbm4b:s3+s2] =	stream.indirect_vreg.scatter [tilespmem:s30], [sflag:$0x1], $0x80, v3, vm0, $0xb8;
	[tilespmem:$0x10100] =	vst v63  }
0x46: {  	_ = 	snop  }
0x47: {  	[hbm4b:s4+s2] =	stream.indirect_vreg.scatter [tilespmem:s31], [sflag:$0x1], $0x80, v3, vm0, $0xb8;
	[tilespmem:$0x10100] =	vst v63  }
0x48: {  	_ = 	snop  }
0x49: {  	[hbm4b:s5+s2] =	stream.indirect_vreg.scatter [tilespmem:s1], [sflag:$0x1], $0x80, v3, vm0, $0xb8;
	[tilespmem:$0x10100] =	vst v63  }
0x4a: {  	s0 =	simm.s32 $0x7800  }
0x4b: {  	[hbm4b:s6+s2] =	stream.indirect_vreg.scatter [tilespmem:s0], [sflag:$0x1], $0x80, v3, vm0, $0xb8;
	[tilespmem:$0x10100] =	vst v63  }
0x4c: {  	v3 =	vld [tilespmem:$0x10020];
	_ =	sdelay $0x4  }
0x4d: {  	v58 =	vshll.u32 v3, $0x3  }
0x4e: {  	v3 =	vand.u32 $0x7, v3;
	v4 =	vand.u32 $0xFFFFFFC0, v58  }
0x4f: {  	v3 =	vor.u32 v3, v4  }
0x50: {  	v4 =	vperm.xlane v3, v0;
	_ =	sdelay $0x1  }
0x51: {  	v4 =	vadd.s32 v1, v4;
	_ =	sdelay $0x4  }
0x52: {  	[hbm4b:s3+s2] =	stream.indirect_vreg.scatter [tilespmem:s9], [sflag:$0x1], $0x80, v4, vm0, $0xb8;
	[tilespmem:$0x10100] =	vst v63  }
0x53: {  	v3 =	vperm.xlane v3, v2  }
0x54: {  	[hbm4b:s4+s2] =	stream.indirect_vreg.scatter [tilespmem:s10], [sflag:$0x1], $0x80, v4, vm0, $0xb8;
	[tilespmem:$0x10100] =	vst v63  }
0x55: {  	v3 =	vadd.s32 v1, v3  }
0x56: {  	[hbm4b:s5+s2] =	stream.indirect_vreg.scatter [tilespmem:s11], [sflag:$0x1], $0x80, v4, vm0, $0xb8;
	[tilespmem:$0x10100] =	vst v63  }
0x57: {  	_ = 	snop  }
0x58: {  	[hbm4b:s6+s2] =	stream.indirect_vreg.scatter [tilespmem:s12], [sflag:$0x1], $0x80, v4, vm0, $0xb8;
	[tilespmem:$0x10100] =	vst v63  }
0x59: {  	_ = 	snop  }
0x5a: {  	[hbm4b:s3+s2] =	stream.indirect_vreg.scatter [tilespmem:s13], [sflag:$0x1], $0x80, v3, vm0, $0xb8;
	[tilespmem:$0x10100] =	vst v63  }
0x5b: {  	_ = 	snop  }
0x5c: {  	[hbm4b:s4+s2] =	stream.indirect_vreg.scatter [tilespmem:s14], [sflag:$0x1], $0x80, v3, vm0, $0xb8;
	[tilespmem:$0x10100] =	vst v63  }
0x5d: {  	_ = 	snop  }
0x5e: {  	[hbm4b:s5+s2] =	stream.indirect_vreg.scatter [tilespmem:s15], [sflag:$0x1], $0x80, v3, vm0, $0xb8;
	[tilespmem:$0x10100] =	vst v63  }
0x5f: {  	_ = 	snop  }
0x60: {  	[hbm4b:s6+s2] =	stream.indirect_vreg.scatter [tilespmem:s16], [sflag:$0x1], $0x80, v3, vm0, $0xb8;
	[tilespmem:$0x10100] =	vst v63  }
0x61: {  	v3 =	vld [tilespmem:$0x10030];
	_ =	sdelay $0x4  }
0x62: {  	v59 =	vshll.u32 v3, $0x3  }
0x63: {  	v3 =	vand.u32 $0x7, v3;
	v4 =	vand.u32 $0xFFFFFFC0, v59  }
0x64: {  	v3 =	vor.u32 v3, v4  }
0x65: {  	v4 =	vperm.xlane v3, v0;
	_ =	sdelay $0x1  }
0x66: {  	v4 =	vadd.s32 v1, v4;
	_ =	sdelay $0x4  }
0x67: {  	[hbm4b:s3+s2] =	stream.indirect_vreg.scatter [tilespmem:s17], [sflag:$0x1], $0x80, v4, vm0, $0xb8;
	[tilespmem:$0x10100] =	vst v63  }
0x68: {  	s0 =	simm.s32 $0xC800;
	v3 =	vperm.xlane v3, v2  }
0x69: {  	[hbm4b:s4+s2] =	stream.indirect_vreg.scatter [tilespmem:s0], [sflag:$0x1], $0x80, v4, vm0, $0xb8;
	[tilespmem:$0x10100] =	vst v63  }
0x6a: {  	v3 =	vadd.s32 v1, v3;
	s0 =	simm.s32 $0xD000  }
0x6b: {  	[hbm4b:s5+s2] =	stream.indirect_vreg.scatter [tilespmem:s0], [sflag:$0x1], $0x80, v4, vm0, $0xb8;
	[tilespmem:$0x10100] =	vst v63  }
0x6c: {  	s0 =	simm.s32 $0xD800  }
0x6d: {  	[hbm4b:s6+s2] =	stream.indirect_vreg.scatter [tilespmem:s0], [sflag:$0x1], $0x80, v4, vm0, $0xb8;
	[tilespmem:$0x10100] =	vst v63  }
0x6e: {  	s0 =	simm.s32 $0xE000  }
0x6f: {  	[hbm4b:s3+s2] =	stream.indirect_vreg.scatter [tilespmem:s0], [sflag:$0x1], $0x80, v3, vm0, $0xb8;
	[tilespmem:$0x10100] =	vst v63  }
0x70: {  	s0 =	simm.s32 $0xE800  }
0x71: {  	[hbm4b:s4+s2] =	stream.indirect_vreg.scatter [tilespmem:s0], [sflag:$0x1], $0x80, v3, vm0, $0xb8;
	[tilespmem:$0x10100] =	vst v63  }
0x72: {  	s0 =	simm.s32 $0xF000  }
0x73: {  	[hbm4b:s5+s2] =	stream.indirect_vreg.scatter [tilespmem:s0], [sflag:$0x1], $0x80, v3, vm0, $0xb8;
	[tilespmem:$0x10100] =	vst v63  }
0x74: {  	s0 =	simm.s32 $0xF800  }
0x75: {  	[hbm4b:s6+s2] =	stream.indirect_vreg.scatter [tilespmem:s0], [sflag:$0x1], $0x80, v3, vm0, $0xb8;
	[tilespmem:$0x10100] =	vst v63  }
0x76: {  	v3 =	vld [tilespmem:$0x10080];
	_ =	sdelay $0x4  }
0x77: {  	v60 =	vshll.u32 v3, $0x3  }
0x78: {  	v3 =	vand.u32 $0x7, v3;
	v4 =	vand.u32 $0xFFFFFFC0, v60  }
0x79: {  	v3 =	vor.u32 v3, v4  }
0x7a: {  	v4 =	vperm.xlane v3, v0;
	_ =	sdelay $0x1  }
0x7b: {  	v4 =	vadd.s32 v1, v4;
	_ =	sdelay $0x4  }
0x7c: {  	[hbm4b:s3+s2] =	stream.indirect_vreg.scatter [tilespmem:s2], [sflag:$0x2], $0x80, v4, vm0, $0xb8;
	[tilespmem:$0x10100] =	vst v63  }
0x7d: {  	v3 =	vperm.xlane v3, v2  }
0x7e: {  	[hbm4b:s4+s2] =	stream.indirect_vreg.scatter [tilespmem:s18], [sflag:$0x2], $0x80, v4, vm0, $0xb8;
	[tilespmem:$0x10100] =	vst v63  }
0x7f: {  	v3 =	vadd.s32 v1, v3  }
0x80: {  	[hbm4b:s5+s2] =	stream.indirect_vreg.scatter [tilespmem:s19], [sflag:$0x2], $0x80, v4, vm0, $0xb8;
	[tilespmem:$0x10100] =	vst v63  }
0x81: {  	_ = 	snop  }
0x82: {  	[hbm4b:s6+s2] =	stream.indirect_vreg.scatter [tilespmem:s20], [sflag:$0x2], $0x80, v4, vm0, $0xb8;
	[tilespmem:$0x10100] =	vst v63  }
0x83: {  	_ = 	snop  }
0x84: {  	[hbm4b:s3+s2] =	stream.indirect_vreg.scatter [tilespmem:s21], [sflag:$0x2], $0x80, v3, vm0, $0xb8;
	[tilespmem:$0x10100] =	vst v63  }
0x85: {  	_ = 	snop  }
0x86: {  	[hbm4b:s4+s2] =	stream.indirect_vreg.scatter [tilespmem:s22], [sflag:$0x2], $0x80, v3, vm0, $0xb8;
	[tilespmem:$0x10100] =	vst v63  }
0x87: {  	_ = 	snop  }
0x88: {  	[hbm4b:s5+s2] =	stream.indirect_vreg.scatter [tilespmem:s23], [sflag:$0x2], $0x80, v3, vm0, $0xb8;
	[tilespmem:$0x10100] =	vst v63  }
0x89: {  	_ = 	snop  }
0x8a: {  	[hbm4b:s6+s2] =	stream.indirect_vreg.scatter [tilespmem:s24], [sflag:$0x2], $0x80, v3, vm0, $0xb8;
	[tilespmem:$0x10100] =	vst v63  }
0x8b: {  	v3 =	vld [tilespmem:$0x10090];
	_ =	sdelay $0x4  }
0x8c: {  	v61 =	vshll.u32 v3, $0x3  }
0x8d: {  	v3 =	vand.u32 $0x7, v3;
	v4 =	vand.u32 $0xFFFFFFC0, v61  }
0x8e: {  	v3 =	vor.u32 v3, v4  }
0x8f: {  	v4 =	vperm.xlane v3, v0;
	_ =	sdelay $0x1  }
0x90: {  	v4 =	vadd.s32 v1, v4;
	_ =	sdelay $0x4  }
0x91: {  	[hbm4b:s3+s2] =	stream.indirect_vreg.scatter [tilespmem:s25], [sflag:$0x2], $0x80, v4, vm0, $0xb8;
	[tilespmem:$0x10100] =	vst v63  }
0x92: {  	v3 =	vperm.xlane v3, v2  }
0x93: {  	[hbm4b:s4+s2] =	stream.indirect_vreg.scatter [tilespmem:s26], [sflag:$0x2], $0x80, v4, vm0, $0xb8;
	[tilespmem:$0x10100] =	vst v63  }
0x94: {  	v3 =	vadd.s32 v1, v3  }
0x95: {  	[hbm4b:s5+s2] =	stream.indirect_vreg.scatter [tilespmem:s28], [sflag:$0x2], $0x80, v4, vm0, $0xb8;
	[tilespmem:$0x10100] =	vst v63  }
0x96: {  	_ = 	snop  }
0x97: {  	[hbm4b:s6+s2] =	stream.indirect_vreg.scatter [tilespmem:s29], [sflag:$0x2], $0x80, v4, vm0, $0xb8;
	[tilespmem:$0x10100] =	vst v63  }
0x98: {  	_ = 	snop  }
0x99: {  	[hbm4b:s3+s2] =	stream.indirect_vreg.scatter [tilespmem:s30], [sflag:$0x2], $0x80, v3, vm0, $0xb8;
	[tilespmem:$0x10100] =	vst v63  }
0x9a: {  	_ = 	snop  }
0x9b: {  	[hbm4b:s4+s2] =	stream.indirect_vreg.scatter [tilespmem:s31], [sflag:$0x2], $0x80, v3, vm0, $0xb8;
	[tilespmem:$0x10100] =	vst v63  }
0x9c: {  	_ = 	snop  }
0x9d: {  	[hbm4b:s5+s2] =	stream.indirect_vreg.scatter [tilespmem:s1], [sflag:$0x2], $0x80, v3, vm0, $0xb8;
	[tilespmem:$0x10100] =	vst v63  }
0x9e: {  	s18 =	simm.s32 $0x7800  }
0x9f: {  	[hbm4b:s6+s2] =	stream.indirect_vreg.scatter [tilespmem:s18], [sflag:$0x2], $0x80, v3, vm0, $0xb8;
	[tilespmem:$0x10100] =	vst v63  }
0xa0: {  	v3 =	vld [tilespmem:$0x100A0];
	_ =	sdelay $0x4  }
0xa1: {  	v62 =	vshll.u32 v3, $0x3  }
0xa2: {  	v3 =	vand.u32 $0x7, v3;
	v4 =	vand.u32 $0xFFFFFFC0, v62  }
0xa3: {  	v3 =	vor.u32 v3, v4  }
0xa4: {  	v4 =	vperm.xlane v3, v0;
	_ =	sdelay $0x1  }
0xa5: {  	v4 =	vadd.s32 v1, v4;
	_ =	sdelay $0x4  }
0xa6: {  	[hbm4b:s3+s2] =	stream.indirect_vreg.scatter [tilespmem:s9], [sflag:$0x2], $0x80, v4, vm0, $0xb8;
	[tilespmem:$0x10100] =	vst v63  }
0xa7: {  	v3 =	vperm.xlane v3, v2  }
0xa8: {  	[hbm4b:s4+s2] =	stream.indirect_vreg.scatter [tilespmem:s10], [sflag:$0x2], $0x80, v4, vm0, $0xb8;
	[tilespmem:$0x10100] =	vst v63  }
0xa9: {  	v3 =	vadd.s32 v1, v3  }
0xaa: {  	[hbm4b:s5+s2] =	stream.indirect_vreg.scatter [tilespmem:s11], [sflag:$0x2], $0x80, v4, vm0, $0xb8;
	[tilespmem:$0x10100] =	vst v63  }
0xab: {  	_ = 	snop  }
0xac: {  	[hbm4b:s6+s2] =	stream.indirect_vreg.scatter [tilespmem:s12], [sflag:$0x2], $0x80, v4, vm0, $0xb8;
	[tilespmem:$0x10100] =	vst v63  }
0xad: {  	_ = 	snop  }
0xae: {  	[hbm4b:s3+s2] =	stream.indirect_vreg.scatter [tilespmem:s13], [sflag:$0x2], $0x80, v3, vm0, $0xb8;
	[tilespmem:$0x10100] =	vst v63  }
0xaf: {  	_ = 	snop  }
0xb0: {  	[hbm4b:s4+s2] =	stream.indirect_vreg.scatter [tilespmem:s14], [sflag:$0x2], $0x80, v3, vm0, $0xb8;
	[tilespmem:$0x10100] =	vst v63  }
0xb1: {  	_ = 	snop  }
0xb2: {  	[hbm4b:s5+s2] =	stream.indirect_vreg.scatter [tilespmem:s15], [sflag:$0x2], $0x80, v3, vm0, $0xb8;
	[tilespmem:$0x10100] =	vst v63  }
0xb3: {  	_ = 	snop  }
0xb4: {  	[hbm4b:s6+s2] =	stream.indirect_vreg.scatter [tilespmem:s16], [sflag:$0x2], $0x80, v3, vm0, $0xb8;
	[tilespmem:$0x10100] =	vst v63  }
0xb5: {  	v3 =	vld [tilespmem:$0x100B0];
	_ =	sdelay $0x4  }
0xb6: {  	v63 =	vshll.u32 v3, $0x3  }
0xb7: {  	v3 =	vand.u32 $0x7, v3;
	v4 =	vand.u32 $0xFFFFFFC0, v63  }
0xb8: {  	v3 =	vor.u32 v3, v4  }
0xb9: {  	v4 =	vperm.xlane v3, v0;
	_ =	sdelay $0x1  }
0xba: {  	v4 =	vadd.s32 v1, v4;
	_ =	sdelay $0x4  }
0xbb: {  	[hbm4b:s3+s2] =	stream.indirect_vreg.scatter [tilespmem:s17], [sflag:$0x2], $0x80, v4, vm0, $0xb8;
	[tilespmem:$0x10100] =	vst v63  }
0xbc: {  	s19 =	simm.s32 $0xC800;
	v3 =	vperm.xlane v3, v2  }
0xbd: {  	[hbm4b:s4+s2] =	stream.indirect_vreg.scatter [tilespmem:s19], [sflag:$0x2], $0x80, v4, vm0, $0xb8;
	[tilespmem:$0x10100] =	vst v63  }
0xbe: {  	s18 =	simm.s32 $0xD000;
	v3 =	vadd.s32 v1, v3  }
0xbf: {  	[hbm4b:s5+s2] =	stream.indirect_vreg.scatter [tilespmem:s18], [sflag:$0x2], $0x80, v4, vm0, $0xb8;
	[tilespmem:$0x10100] =	vst v63  }
0xc0: {  	s19 =	simm.s32 $0xD800  }
0xc1: {  	[hbm4b:s6+s2] =	stream.indirect_vreg.scatter [tilespmem:s19], [sflag:$0x2], $0x80, v4, vm0, $0xb8;
	[tilespmem:$0x10100] =	vst v63  }
0xc2: {  	s18 =	simm.s32 $0xE000  }
0xc3: {  	[hbm4b:s3+s2] =	stream.indirect_vreg.scatter [tilespmem:s18], [sflag:$0x2], $0x80, v3, vm0, $0xb8;
	[tilespmem:$0x10100] =	vst v63  }
0xc4: {  	s19 =	simm.s32 $0xE800  }
0xc5: {  	[hbm4b:s4+s2] =	stream.indirect_vreg.scatter [tilespmem:s19], [sflag:$0x2], $0x80, v3, vm0, $0xb8;
	[tilespmem:$0x10100] =	vst v63  }
0xc6: {  	s18 =	simm.s32 $0xF000  }
0xc7: {  	[hbm4b:s5+s2] =	stream.indirect_vreg.scatter [tilespmem:s18], [sflag:$0x2], $0x80, v3, vm0, $0xb8;
	[tilespmem:$0x10100] =	vst v63  }
0xc8: {  	s19 =	simm.s32 $0xF800;
	s18 =	simm.s32 $0x1  }
0xc9: {  	[hbm4b:s6+s2] =	stream.indirect_vreg.scatter [tilespmem:s19], [sflag:$0x2], $0x80, v3, vm0, $0xb8;
	[tilespmem:$0x10100] =	vst v63  }
0xca: {  	p0 =	sne.s32 s7, $0x1;
	_ =	swait.ge [sflag:s18], $0x10000  }
.Ltmp0:
0xcb: {  	[sflag:s18] =	ssyncset.done $0x0;
	(pc) =	sbr.rel @p0 .LBB2_1-.Ltmp0, $4  }
0xcc: {  	s19 =	simm.s32 $0x2;
	[sflag:s18] =	ssyncadd.s32 $0xFFFF0000  }
0xcd: {  	_ =	swait.ge [sflag:s19], $0x10000  }
0xce: {  	[sflag:s19] =	ssyncset.done $0x0  }
0xcf: {  	s7 =	sadd.s32 $0xFFFFFFFF, s7;
	[sflag:s19] =	ssyncadd.s32 $0xFFFF0000  }
0xd0: {  	_ =	sfence.sel $0x180000  }
0xd1: {  	[bflag:$0x0] =	sbarrier.arrive $0xFFFF  }
0xd2: {  	_ =	strace $0x90000047  }
0xd3: {  	s0 =	stileid.u32;
	[bflag:$0x2] =	sbarrier.arrive $0xFFFF  }
0xd4: {  	p0 =	sne.s32 s0, $0x0;
	s0 =	rddreg [dreg:$0x2]  }
0xd5: {  	s0 =	sadd.s32 @!p0 $0x100000, s0  }
0xd6: {  	[sflag:s0] =	ssyncadd.tile.s32 @!p0 $0x1;
	_ =	shalt  }
.Lfunc_end2:
_tile_overlayer_lowered:
.L_overlay_start_2:
0xd7: {  	(tag) =	ssettag $0x2  }
0xd8: {  	s0 =	rddreg [dreg:$0x0];
	s2 =	stileid.u32  }
0xd9: {  	s1 =	rddreg [dreg:$0x1];
	p0 =	sne.s32 s2, $0x0  }
0xda: {  	s3 =	rddreg [dreg:$0x2];
	[bflag:$0x3] =	sbarrier.arrive $0xFFFF;
	s2 =	simm.s32 @!p0 $0x1C03  }
0xdb: {  	[timem:s3], [sflag:s2] =	dma.local @!p0 [hbm:s0], s1  }
0xdc: {  	s0 =	simm.s32 @!p0 $0x3  }
0xdd: {  	_ =	swait.ge @!p0 [sflag:s0], s1  }
0xde: {  	s1 =	ssub.s32 @!p0 $0x0, s1;
	[sflag:s0] =	ssyncset.done @!p0 $0x0  }
0xdf: {  	[sflag:s0] =	ssyncadd.s32 @!p0 s1  }
0xe0: {  	[bflag:$0x3] =	sbarrier.arrive $0xFFFF  }
0xe1: {  	_ =	shalt  }

</sc_bundles>
